<compile_context>
chip_gen: v7x
topology: tpu7x:2x2x1
jax: 0.10.2.dev20260603
libtpu: 0.0.44.dev20260713+nightly
codegen_flags: <defaults>
</compile_context>

<pallas_src>
import functools

import jax
import jax.numpy as jnp
from jax import lax
from jax.experimental import pallas as pl
from jax.experimental.pallas import tpu as pltpu
from jax.experimental.pallas import tpu_sc as plsc

NC = 2
NS = 16
NW = NC * NS
CHUNK = 128
LANES = 16

HID = 128


def _matmul_bias_kernel(x_ref, w_ref, b_ref, o_ref):
    o_ref[...] = (
        jnp.dot(x_ref[...], w_ref[...], preferred_element_type=jnp.float32)
        + b_ref[...]
    )


def _mlp_kernel(h_ref, p_ref, w1_ref, b1_ref, w2_ref, b2_ref, o_ref):
    pre = h_ref[...] + p_ref[0] + p_ref[1]
    t = jnp.dot(pre, w1_ref[...], preferred_element_type=jnp.float32) + b1_ref[...]
    t = jnp.maximum(t, 0.0)
    o_ref[...] = (
        jnp.dot(t, w2_ref[...], preferred_element_type=jnp.float32) + b2_ref[...]
    )


def _make_sc_agg(n_pad, chunks):
    rows_per_tile = n_pad // NS
    zcopies = rows_per_tile // CHUNK
    assert rows_per_tile % CHUNK == 0 and chunks % 4 == 0 and chunks >= 8

    mesh = plsc.VectorSubcoreMesh(core_axis_name="c", subcore_axis_name="s")

    @functools.partial(
        pl.kernel,
        out_type=jax.ShapeDtypeStruct((NC, n_pad, HID), jnp.float32),
        mesh=mesh,
        scratch_types=[
            pltpu.VMEM((4, 2, CHUNK), jnp.int32),
            pltpu.VMEM((2, CHUNK, HID), jnp.float32),
            pltpu.VMEM_SHARED((n_pad, HID), jnp.float32),
            [pltpu.SemaphoreType.DMA] * 2,
            [pltpu.SemaphoreType.DMA] * 2,
            [pltpu.SemaphoreType.DMA] * 4,
        ],
    )
    def sc_agg(h0_hbm, sd_hbm, out_hbm, sd_v, rows_v, agg_sh,
               sem_g, sem_s, sem_i):
        cid = lax.axis_index("c")
        sid = lax.axis_index("s")
        w = cid * NS + sid

        @pl.loop(0, CHUNK)
        def _zero_rows(i):
            for j in range(HID // LANES):
                rows_v[0, i, pl.ds(j * LANES, LANES)] = jnp.zeros(
                    (LANES,), jnp.float32)

        base_row = sid * rows_per_tile
        for r in range(zcopies):
            pltpu.sync_copy(
                rows_v.at[0],
                agg_sh.at[pl.ds(base_row + r * CHUNK, CHUNK)])

        def fire_idx(j, ib):
            pltpu.async_copy(sd_hbm.at[w, j], sd_v.at[ib], sem_i[ib])

        def wait_idx(j, ib):
            pltpu.make_async_copy(
                sd_hbm.at[w, j], sd_v.at[ib], sem_i[ib]).wait()

        def fire_gather(rb, ib):
            pltpu.async_copy(
                h0_hbm.at[sd_v.at[ib, 0]], rows_v.at[rb], sem_g[rb])

        def wait_gather(rb, ib):
            pltpu.make_async_copy(
                h0_hbm.at[sd_v.at[ib, 0]], rows_v.at[rb], sem_g[rb]).wait()

        def fire_scat(rb, ib):
            pltpu.async_copy(
                rows_v.at[rb], agg_sh.at[sd_v.at[ib, 1]], sem_s[rb], add=True)

        def wait_scat(rb, ib):
            pltpu.make_async_copy(
                rows_v.at[rb], agg_sh.at[sd_v.at[ib, 1]], sem_s[rb]).wait()


        pltpu.sync_copy(sd_hbm.at[w, 0], sd_v.at[0])
        fire_idx(1, 1)
        fire_gather(0, 0)
        plsc.subcore_barrier()

        wait_gather(0, 0)
        fire_scat(0, 0)
        wait_idx(1, 1)
        fire_gather(1, 1)
        fire_idx(2, 2)
        wait_gather(1, 1)
        fire_scat(1, 1)
        wait_idx(2, 2)
        wait_scat(0, 0)
        fire_gather(0, 2)
        fire_idx(3, 3)

        @pl.loop(2, chunks - 2, step=4)
        def _body(j):
            for k in range(4):
                rb = k % 2
                ib = (2 + k) % 4
                wait_gather(rb, ib)
                fire_scat(rb, ib)
                wait_idx(j + k + 1, (3 + k) % 4)
                wait_scat(1 - rb, (1 + k) % 4)
                fire_gather(1 - rb, (3 + k) % 4)
                fire_idx(j + k + 2, (k) % 4)

        wait_gather(0, 2)
        fire_scat(0, 2)
        wait_idx(chunks - 1, 3)
        wait_scat(1, 1)
        fire_gather(1, 3)
        wait_gather(1, 3)
        fire_scat(1, 3)
        wait_scat(0, 2)
        wait_scat(1, 3)

        plsc.subcore_barrier()
        pltpu.sync_copy(
            agg_sh.at[pl.ds(base_row, rows_per_tile)],
            out_hbm.at[cid, pl.ds(base_row, rows_per_tile)])

    return sc_agg


def kernel(x, edge_index, W0, b0, W1, b1, W2, b2):
    n, d_in = x.shape
    e = edge_index.shape[1]
    hid = W0.shape[1]

    row_blk = 1000
    grid = (n + row_blk - 1) // row_blk
    b0r = b0.reshape(1, hid)
    h0 = pl.pallas_call(
        _matmul_bias_kernel,
        grid=(grid,),
        in_specs=[
            pl.BlockSpec((row_blk, d_in), lambda i: (i, 0)),
            pl.BlockSpec((d_in, hid), lambda i: (0, 0)),
            pl.BlockSpec((1, hid), lambda i: (0, 0)),
        ],
        out_specs=pl.BlockSpec((row_blk, hid), lambda i: (i, 0)),
        out_shape=jax.ShapeDtypeStruct((n, hid), jnp.float32),
    )(x, W0, b0r)

    per_worker = -(-e // NW)
    chunks = -(-per_worker // CHUNK)
    chunks += (-chunks) % 4
    e_pad = NW * chunks * CHUNK
    n_pad = -(-(n + 1) // (NS * CHUNK)) * (NS * CHUNK)

    src = edge_index[0].astype(jnp.int32)
    dst = edge_index[1].astype(jnp.int32)
    pad = e_pad - e
    src_p = jnp.concatenate([src, (jnp.arange(pad, dtype=jnp.int32) * 37) % n])
    dst_p = jnp.concatenate([dst, jnp.full((pad,), n, jnp.int32)])
    sd = jnp.stack(
        [src_p.reshape(NW, chunks, CHUNK), dst_p.reshape(NW, chunks, CHUNK)],
        axis=2)

    partials = _make_sc_agg(n_pad, chunks)(h0, sd)

    b1r = b1.reshape(1, hid)
    b2r = b2.reshape(1, hid)
    l1 = pl.pallas_call(
        _mlp_kernel,
        grid=(grid,),
        in_specs=[
            pl.BlockSpec((row_blk, hid), lambda i: (i, 0)),
            pl.BlockSpec((NC, row_blk, hid), lambda i: (0, i, 0)),
            pl.BlockSpec((hid, hid), lambda i: (0, 0)),
            pl.BlockSpec((1, hid), lambda i: (0, 0)),
            pl.BlockSpec((hid, hid), lambda i: (0, 0)),
            pl.BlockSpec((1, hid), lambda i: (0, 0)),
        ],
        out_specs=pl.BlockSpec((row_blk, hid), lambda i: (i, 0)),
        out_shape=jax.ShapeDtypeStruct((n, hid), jnp.float32),
    )(h0, partials, W1, b1r, W2, b2r)

    return (l1, h0)

# --- scband reference (transcript-rebuilt; emitter-appended) ---
"""Pipeline reference for scband-gnnstruct-encoder-206158430348 (READ-ONLY COPY).

The authoritative reference and input builder live on the scoring server;
editing this copy changes nothing except your own understanding.
"""

import jax, jax.numpy as jnp
import numpy as np

N = 10000
E = 320000
D_IN0 = 128
HID = 128

def setup_inputs(seed: int = 0) -> dict:
    key = jax.random.key(seed)
    ks = jax.random.split(key, 8)
    x = jax.random.normal(ks[0], (N, D_IN0), dtype=jnp.float32)
    edge_index = jax.random.randint(ks[1], (2, E), 0, N, dtype=jnp.int64 if jax.config.read('jax_enable_x64') else jnp.int32)
    s0 = 1.0 / np.sqrt(D_IN0)
    W0 = jax.random.uniform(ks[2], (D_IN0, HID), minval=-s0, maxval=s0, dtype=jnp.float32)
    b0 = jax.random.uniform(ks[3], (HID,), minval=-s0, maxval=s0, dtype=jnp.float32)
    s1 = 1.0 / np.sqrt(HID)
    W1 = jax.random.uniform(ks[4], (HID, HID), minval=-s1, maxval=s1, dtype=jnp.float32)
    b1 = jax.random.uniform(ks[5], (HID,), minval=-s1, maxval=s1, dtype=jnp.float32)
    W2 = jax.random.uniform(ks[6], (HID, HID), minval=-s1, maxval=s1, dtype=jnp.float32)
    b2 = jax.random.uniform(ks[7], (HID,), minval=-s1, maxval=s1, dtype=jnp.float32)
    return {"x": x, "edge_index": edge_index, "W0": W0, "b0": b0, "W1": W1, "b1": b1, "W2": W2, "b2": b2}

def reference(x, edge_index, W0, b0, W1, b1, W2, b2):
    # forward_encoder of GNNStructEncoder:
    #   h0 = mlp0(x); l1 = GINConv(MLP(layer_num=2, hid, hid, hid))(h0, edge_index)
    h0 = x @ W0 + b0
    src = edge_index[0]
    dst = edge_index[1]
    # GIN aggregation: sum of neighbor features scattered to destination nodes
    msgs = jnp.take(h0, src, axis=0)                       # gather [E, HID]
    agg = jnp.zeros_like(h0).at[dst].add(msgs)             # scatter-add [N, HID]
    pre = (1.0 + 0.0) * h0 + agg                           # eps = 0 (GINConv default)
    # 2-layer GIN MLP (Linear -> ReLU -> Linear)
    l1 = jax.nn.relu(pre @ W1 + b1) @ W2 + b2
    return (l1, h0)

if __name__ == "__main__":
    import jax
    _d = setup_inputs()
    print(jax.jit(kernel)(*tuple(_d.values())))

</pallas_src>

<mosaic_0001>
#map = affine_map<(d0, d1) -> (0, 0)>
#map1 = affine_map<(d0, d1) -> (0, 0, 0, 0)>
#map2 = affine_map<(d0, d1) -> (0, 0, 0)>
module attributes {stable_mosaic.version = 14 : i64} {
  func.func @sc_agg(%arg0: i32, %arg1: i32, %arg2: memref<10000x128xf32, #tpu.memory_space<hbm>>, %arg3: memref<32x80x2x128xi32, #tpu.memory_space<hbm>>, %arg4: memref<2x10240x128xf32, #tpu.memory_space<hbm>>, %arg5: memref<4x2x128xi32, #tpu.memory_space<vmem>>, %arg6: memref<2x128x128xf32, #tpu.memory_space<vmem>>, %arg7: memref<10240x128xf32, #tpu.memory_space<vmem_shared>>, %arg8: memref<!tpu.dma_semaphore, #tpu.memory_space<semaphore_mem>>, %arg9: memref<!tpu.dma_semaphore, #tpu.memory_space<semaphore_mem>>, %arg10: memref<!tpu.dma_semaphore, #tpu.memory_space<semaphore_mem>>, %arg11: memref<!tpu.dma_semaphore, #tpu.memory_space<semaphore_mem>>, %arg12: memref<!tpu.dma_semaphore, #tpu.memory_space<semaphore_mem>>, %arg13: memref<!tpu.dma_semaphore, #tpu.memory_space<semaphore_mem>>, %arg14: memref<!tpu.dma_semaphore, #tpu.memory_space<semaphore_mem>>, %arg15: memref<!tpu.dma_semaphore, #tpu.memory_space<semaphore_mem>>) attributes {dimension_semantics = [#tpu.dimension_semantics<core_parallel>, #tpu.dimension_semantics<subcore_parallel>], iteration_bounds = array<i64: 2, 16>, scalar_prefetch = 0 : i64, scratch_operands = 11 : i64, tpu.core_type = #tpu.core_type<sc_vector_subcore>, window_params = [{transform_indices = #map}, {transform_indices = #map1}, {transform_indices = #map2}]} {
    %mul3A = arith.constant 16 : i32
    %mul3A_0 = arith.muli %arg0, %mul3A : i32
    %add3A = arith.addi %mul3A_0, %arg1 : i32
    %scan3A = arith.constant 0 : i32
    %scan3A_1 = arith.constant 128 : i32
    %scan3A_2 = arith.addi %scan3A, %scan3A_1 : i32
    %scan3A_3 = arith.constant 1 : i32
    scf.for %scan3A_343 = %scan3A to %scan3A_2 step %scan3A_3  : i32 {
      %mul3A_344 = arith.constant 1 : i32
      %mul3A_345 = arith.muli %scan3A_343, %mul3A_344 : i32
      %add3A_346 = arith.constant 0 : i32
      %add3A_347 = arith.addi %add3A_346, %mul3A_345 : i32
      %broadcast_in_dim3A = arith.constant 0.000000e+00 : f32
      %broadcast_in_dim3A_348 = vector.broadcast %broadcast_in_dim3A : f32 to vector<16xf32>
      %swap3A = arith.constant 0 : i32
      %swap3A_349 = arith.index_cast %swap3A : i32 to index
      %swap3A_350 = arith.index_cast %add3A_347 : i32 to index
      %swap3A_351 = arith.constant 0 : index
      %swap3A_352 = tpu.vector_load %arg6[%swap3A_349, %swap3A_350, %swap3A_351] {strides = array<i32>} : memref<2x128x128xf32, #tpu.memory_space<vmem>>, vector<1x1x16xf32>,
      %swap3A_353 = vector.shape_cast %swap3A_352 : vector<1x1x16xf32> to vector<16xf32>
      %swap3A_354 = vector.shape_cast %broadcast_in_dim3A_348 : vector<16xf32> to vector<1x1x16xf32>
      tpu.vector_store %arg6[%swap3A_349, %swap3A_350, %swap3A_351], %swap3A_354 {strides = array<i32>} : memref<2x128x128xf32, #tpu.memory_space<vmem>>, vector<1x1x16xf32>,
      %broadcast_in_dim3A_355 = arith.constant 0.000000e+00 : f32
      %broadcast_in_dim3A_356 = vector.broadcast %broadcast_in_dim3A_355 : f32 to vector<16xf32>
      %swap3A_357 = arith.constant 0 : i32
      %swap3A_358 = arith.index_cast %swap3A_357 : i32 to index
      %swap3A_359 = arith.index_cast %add3A_347 : i32 to index
      %swap3A_360 = arith.constant 16 : index
      %swap3A_361 = tpu.vector_load %arg6[%swap3A_358, %swap3A_359, %swap3A_360] {strides = array<i32>} : memref<2x128x128xf32, #tpu.memory_space<vmem>>, vector<1x1x16xf32>,
      %swap3A_362 = vector.shape_cast %swap3A_361 : vector<1x1x16xf32> to vector<16xf32>
      %swap3A_363 = vector.shape_cast %broadcast_in_dim3A_356 : vector<16xf32> to vector<1x1x16xf32>
      tpu.vector_store %arg6[%swap3A_358, %swap3A_359, %swap3A_360], %swap3A_363 {strides = array<i32>} : memref<2x128x128xf32, #tpu.memory_space<vmem>>, vector<1x1x16xf32>,
      %broadcast_in_dim3A_364 = arith.constant 0.000000e+00 : f32
      %broadcast_in_dim3A_365 = vector.broadcast %broadcast_in_dim3A_364 : f32 to vector<16xf32>
      %swap3A_366 = arith.constant 0 : i32
      %swap3A_367 = arith.index_cast %swap3A_366 : i32 to index
      %swap3A_368 = arith.index_cast %add3A_347 : i32 to index
      %swap3A_369 = arith.constant 32 : index
      %swap3A_370 = tpu.vector_load %arg6[%swap3A_367, %swap3A_368, %swap3A_369] {strides = array<i32>} : memref<2x128x128xf32, #tpu.memory_space<vmem>>, vector<1x1x16xf32>,
      %swap3A_371 = vector.shape_cast %swap3A_370 : vector<1x1x16xf32> to vector<16xf32>
      %swap3A_372 = vector.shape_cast %broadcast_in_dim3A_365 : vector<16xf32> to vector<1x1x16xf32>
      tpu.vector_store %arg6[%swap3A_367, %swap3A_368, %swap3A_369], %swap3A_372 {strides = array<i32>} : memref<2x128x128xf32, #tpu.memory_space<vmem>>, vector<1x1x16xf32>,
      %broadcast_in_dim3A_373 = arith.constant 0.000000e+00 : f32
      %broadcast_in_dim3A_374 = vector.broadcast %broadcast_in_dim3A_373 : f32 to vector<16xf32>
      %swap3A_375 = arith.constant 0 : i32
      %swap3A_376 = arith.index_cast %swap3A_375 : i32 to index
      %swap3A_377 = arith.index_cast %add3A_347 : i32 to index
      %swap3A_378 = arith.constant 48 : index
      %swap3A_379 = tpu.vector_load %arg6[%swap3A_376, %swap3A_377, %swap3A_378] {strides = array<i32>} : memref<2x128x128xf32, #tpu.memory_space<vmem>>, vector<1x1x16xf32>,
      %swap3A_380 = vector.shape_cast %swap3A_379 : vector<1x1x16xf32> to vector<16xf32>
      %swap3A_381 = vector.shape_cast %broadcast_in_dim3A_374 : vector<16xf32> to vector<1x1x16xf32>
      tpu.vector_store %arg6[%swap3A_376, %swap3A_377, %swap3A_378], %swap3A_381 {strides = array<i32>} : memref<2x128x128xf32, #tpu.memory_space<vmem>>, vector<1x1x16xf32>,
      %broadcast_in_dim3A_382 = arith.constant 0.000000e+00 : f32
      %broadcast_in_dim3A_383 = vector.broadcast %broadcast_in_dim3A_382 : f32 to vector<16xf32>
      %swap3A_384 = arith.constant 0 : i32
      %swap3A_385 = arith.index_cast %swap3A_384 : i32 to index
      %swap3A_386 = arith.index_cast %add3A_347 : i32 to index
      %swap3A_387 = arith.constant 64 : index
      %swap3A_388 = tpu.vector_load %arg6[%swap3A_385, %swap3A_386, %swap3A_387] {strides = array<i32>} : memref<2x128x128xf32, #tpu.memory_space<vmem>>, vector<1x1x16xf32>,
      %swap3A_389 = vector.shape_cast %swap3A_388 : vector<1x1x16xf32> to vector<16xf32>
      %swap3A_390 = vector.shape_cast %broadcast_in_dim3A_383 : vector<16xf32> to vector<1x1x16xf32>
      tpu.vector_store %arg6[%swap3A_385, %swap3A_386, %swap3A_387], %swap3A_390 {strides = array<i32>} : memref<2x128x128xf32, #tpu.memory_space<vmem>>, vector<1x1x16xf32>,
      %broadcast_in_dim3A_391 = arith.constant 0.000000e+00 : f32
      %broadcast_in_dim3A_392 = vector.broadcast %broadcast_in_dim3A_391 : f32 to vector<16xf32>
      %swap3A_393 = arith.constant 0 : i32
      %swap3A_394 = arith.index_cast %swap3A_393 : i32 to index
      %swap3A_395 = arith.index_cast %add3A_347 : i32 to index
      %swap3A_396 = arith.constant 80 : index
      %swap3A_397 = tpu.vector_load %arg6[%swap3A_394, %swap3A_395, %swap3A_396] {strides = array<i32>} : memref<2x128x128xf32, #tpu.memory_space<vmem>>, vector<1x1x16xf32>,
      %swap3A_398 = vector.shape_cast %swap3A_397 : vector<1x1x16xf32> to vector<16xf32>
      %swap3A_399 = vector.shape_cast %broadcast_in_dim3A_392 : vector<16xf32> to vector<1x1x16xf32>
      tpu.vector_store %arg6[%swap3A_394, %swap3A_395, %swap3A_396], %swap3A_399 {strides = array<i32>} : memref<2x128x128xf32, #tpu.memory_space<vmem>>, vector<1x1x16xf32>,
      %broadcast_in_dim3A_400 = arith.constant 0.000000e+00 : f32
      %broadcast_in_dim3A_401 = vector.broadcast %broadcast_in_dim3A_400 : f32 to vector<16xf32>
      %swap3A_402 = arith.constant 0 : i32
      %swap3A_403 = arith.index_cast %swap3A_402 : i32 to index
      %swap3A_404 = arith.index_cast %add3A_347 : i32 to index
      %swap3A_405 = arith.constant 96 : index
      %swap3A_406 = tpu.vector_load %arg6[%swap3A_403, %swap3A_404, %swap3A_405] {strides = array<i32>} : memref<2x128x128xf32, #tpu.memory_space<vmem>>, vector<1x1x16xf32>,
      %swap3A_407 = vector.shape_cast %swap3A_406 : vector<1x1x16xf32> to vector<16xf32>
      %swap3A_408 = vector.shape_cast %broadcast_in_dim3A_401 : vector<16xf32> to vector<1x1x16xf32>
      tpu.vector_store %arg6[%swap3A_403, %swap3A_404, %swap3A_405], %swap3A_408 {strides = array<i32>} : memref<2x128x128xf32, #tpu.memory_space<vmem>>, vector<1x1x16xf32>,
      %broadcast_in_dim3A_409 = arith.constant 0.000000e+00 : f32
      %broadcast_in_dim3A_410 = vector.broadcast %broadcast_in_dim3A_409 : f32 to vector<16xf32>
      %swap3A_411 = arith.constant 0 : i32
      %swap3A_412 = arith.index_cast %swap3A_411 : i32 to index
      %swap3A_413 = arith.index_cast %add3A_347 : i32 to index
      %swap3A_414 = arith.constant 112 : index
      %swap3A_415 = tpu.vector_load %arg6[%swap3A_412, %swap3A_413, %swap3A_414] {strides = array<i32>} : memref<2x128x128xf32, #tpu.memory_space<vmem>>, vector<1x1x16xf32>,
      %swap3A_416 = vector.shape_cast %swap3A_415 : vector<1x1x16xf32> to vector<16xf32>
      %swap3A_417 = vector.shape_cast %broadcast_in_dim3A_410 : vector<16xf32> to vector<1x1x16xf32>
      tpu.vector_store %arg6[%swap3A_412, %swap3A_413, %swap3A_414], %swap3A_417 {strides = array<i32>} : memref<2x128x128xf32, #tpu.memory_space<vmem>>, vector<1x1x16xf32>,
    }
    %scan3A_4 = arith.constant 128 : i32
    %mul3A_5 = arith.constant 640 : i32
    %mul3A_6 = arith.muli %arg1, %mul3A_5 : i32
    %add3A_7 = arith.constant 0 : i32
    %add3A_8 = arith.addi %mul3A_6, %add3A_7 : i32
    %run_scoped3A = arith.constant 0 : i32
    "tpu.region"() ({
      %run_scoped3A_343 = tpu.sem_alloc : memref<!tpu.dma_semaphore, #tpu.memory_space<semaphore_mem>>
      %dma_start3A_344 = arith.constant 0 : i32
      %dma_start3A_345 = arith.constant 0 : i32
      %dma_start3A_346 = tpu.memref_slice %arg6[%run_scoped3A, %dma_start3A_344, %dma_start3A_345] : memref<2x128x128xf32, #tpu.memory_space<vmem>> -> memref<1x128x128xf32, #tpu.memory_space<vmem>>
      %dma_start3A_347 = tpu.memref_squeeze %dma_start3A_346 : memref<1x128x128xf32, #tpu.memory_space<vmem>> -> memref<128x128xf32, #tpu.memory_space<vmem>>
      %dma_start3A_348 = arith.constant 0 : i32
      %dma_start3A_349 = tpu.memref_slice %arg7[%add3A_8, %dma_start3A_348] : memref<10240x128xf32, #tpu.memory_space<vmem_shared>> -> memref<128x128xf32, #tpu.memory_space<vmem_shared>>
      %dma_start3A_350 = arith.constant 0 : i32
      %dma_start3A_351 = tpu.memref_slice %arg7[%add3A_8, %dma_start3A_350] : memref<10240x128xf32, #tpu.memory_space<vmem_shared>> -> memref<128x128xf32, #tpu.memory_space<vmem_shared>>
      %dma_start3A_352 = arith.constant 0 : i32
      %dma_start3A_353 = arith.constant 0 : i32
      %dma_start3A_354 = tpu.memref_slice %arg6[%run_scoped3A, %dma_start3A_352, %dma_start3A_353] : memref<2x128x128xf32, #tpu.memory_space<vmem>> -> memref<1x128x128xf32, #tpu.memory_space<vmem>>
      %dma_start3A_355 = tpu.memref_squeeze %dma_start3A_354 : memref<1x128x128xf32, #tpu.memory_space<vmem>> -> memref<128x128xf32, #tpu.memory_space<vmem>>
      tpu.enqueue_dma source(%dma_start3A_355 : memref<128x128xf32, #tpu.memory_space<vmem>>) target(%dma_start3A_351 : memref<128x128xf32, #tpu.memory_space<vmem_shared>>) target_semaphore(%run_scoped3A_343 : memref<!tpu.dma_semaphore, #tpu.memory_space<semaphore_mem>>)
      %dma_wait3A_356 = arith.constant 0 : i32
      %dma_wait3A_357 = arith.constant 0 : i32
      %dma_wait3A_358 = tpu.memref_slice %arg6[%run_scoped3A, %dma_wait3A_356, %dma_wait3A_357] : memref<2x128x128xf32, #tpu.memory_space<vmem>> -> memref<1x128x128xf32, #tpu.memory_space<vmem>>
      %dma_wait3A_359 = tpu.memref_squeeze %dma_wait3A_358 : memref<1x128x128xf32, #tpu.memory_space<vmem>> -> memref<128x128xf32, #tpu.memory_space<vmem>>
      %dma_wait3A_360 = arith.constant 0 : i32
      %dma_wait3A_361 = tpu.memref_slice %arg7[%add3A_8, %dma_wait3A_360] : memref<10240x128xf32, #tpu.memory_space<vmem_shared>> -> memref<128x128xf32, #tpu.memory_space<vmem_shared>>
      %dma_wait3A_362 = arith.constant 0 : i32
      %dma_wait3A_363 = tpu.memref_slice %arg7[%add3A_8, %dma_wait3A_362] : memref<10240x128xf32, #tpu.memory_space<vmem_shared>> -> memref<128x128xf32, #tpu.memory_space<vmem_shared>>
      %dma_wait3A_364 = arith.constant 0 : i32
      %dma_wait3A_365 = arith.constant 0 : i32
      %dma_wait3A_366 = tpu.memref_slice %arg6[%run_scoped3A, %dma_wait3A_364, %dma_wait3A_365] : memref<2x128x128xf32, #tpu.memory_space<vmem>> -> memref<1x128x128xf32, #tpu.memory_space<vmem>>
      %dma_wait3A_367 = tpu.memref_squeeze %dma_wait3A_366 : memref<1x128x128xf32, #tpu.memory_space<vmem>> -> memref<128x128xf32, #tpu.memory_space<vmem>>
      tpu.wait_dma2 semaphore(%run_scoped3A_343 : memref<!tpu.dma_semaphore, #tpu.memory_space<semaphore_mem>>) src(%dma_wait3A_367 : memref<128x128xf32, #tpu.memory_space<vmem>>) dst(%dma_wait3A_363 : memref<128x128xf32, #tpu.memory_space<vmem_shared>>)
      tpu.yield
    }) : () -> ()
    %add3A_9 = arith.constant 128 : i32
    %add3A_10 = arith.addi %mul3A_6, %add3A_9 : i32
    %run_scoped3A_11 = arith.constant 0 : i32
    "tpu.region"() ({
      %run_scoped3A_343 = tpu.sem_alloc : memref<!tpu.dma_semaphore, #tpu.memory_space<semaphore_mem>>
      %dma_start3A_344 = arith.constant 0 : i32
      %dma_start3A_345 = arith.constant 0 : i32
      %dma_start3A_346 = tpu.memref_slice %arg6[%run_scoped3A_11, %dma_start3A_344, %dma_start3A_345] : memref<2x128x128xf32, #tpu.memory_space<vmem>> -> memref<1x128x128xf32, #tpu.memory_space<vmem>>
      %dma_start3A_347 = tpu.memref_squeeze %dma_start3A_346 : memref<1x128x128xf32, #tpu.memory_space<vmem>> -> memref<128x128xf32, #tpu.memory_space<vmem>>
      %dma_start3A_348 = arith.constant 0 : i32
      %dma_start3A_349 = tpu.memref_slice %arg7[%add3A_10, %dma_start3A_348] : memref<10240x128xf32, #tpu.memory_space<vmem_shared>> -> memref<128x128xf32, #tpu.memory_space<vmem_shared>>
      %dma_start3A_350 = arith.constant 0 : i32
      %dma_start3A_351 = tpu.memref_slice %arg7[%add3A_10, %dma_start3A_350] : memref<10240x128xf32, #tpu.memory_space<vmem_shared>> -> memref<128x128xf32, #tpu.memory_space<vmem_shared>>
      %dma_start3A_352 = arith.constant 0 : i32
      %dma_start3A_353 = arith.constant 0 : i32
      %dma_start3A_354 = tpu.memref_slice %arg6[%run_scoped3A_11, %dma_start3A_352, %dma_start3A_353] : memref<2x128x128xf32, #tpu.memory_space<vmem>> -> memref<1x128x128xf32, #tpu.memory_space<vmem>>
      %dma_start3A_355 = tpu.memref_squeeze %dma_start3A_354 : memref<1x128x128xf32, #tpu.memory_space<vmem>> -> memref<128x128xf32, #tpu.memory_space<vmem>>
      tpu.enqueue_dma source(%dma_start3A_355 : memref<128x128xf32, #tpu.memory_space<vmem>>) target(%dma_start3A_351 : memref<128x128xf32, #tpu.memory_space<vmem_shared>>) target_semaphore(%run_scoped3A_343 : memref<!tpu.dma_semaphore, #tpu.memory_space<semaphore_mem>>)
      %dma_wait3A_356 = arith.constant 0 : i32
      %dma_wait3A_357 = arith.constant 0 : i32
      %dma_wait3A_358 = tpu.memref_slice %arg6[%run_scoped3A_11, %dma_wait3A_356, %dma_wait3A_357] : memref<2x128x128xf32, #tpu.memory_space<vmem>> -> memref<1x128x128xf32, #tpu.memory_space<vmem>>
      %dma_wait3A_359 = tpu.memref_squeeze %dma_wait3A_358 : memref<1x128x128xf32, #tpu.memory_space<vmem>> -> memref<128x128xf32, #tpu.memory_space<vmem>>
      %dma_wait3A_360 = arith.constant 0 : i32
      %dma_wait3A_361 = tpu.memref_slice %arg7[%add3A_10, %dma_wait3A_360] : memref<10240x128xf32, #tpu.memory_space<vmem_shared>> -> memref<128x128xf32, #tpu.memory_space<vmem_shared>>
      %dma_wait3A_362 = arith.constant 0 : i32
      %dma_wait3A_363 = tpu.memref_slice %arg7[%add3A_10, %dma_wait3A_362] : memref<10240x128xf32, #tpu.memory_space<vmem_shared>> -> memref<128x128xf32, #tpu.memory_space<vmem_shared>>
      %dma_wait3A_364 = arith.constant 0 : i32
      %dma_wait3A_365 = arith.constant 0 : i32
      %dma_wait3A_366 = tpu.memref_slice %arg6[%run_scoped3A_11, %dma_wait3A_364, %dma_wait3A_365] : memref<2x128x128xf32, #tpu.memory_space<vmem>> -> memref<1x128x128xf32, #tpu.memory_space<vmem>>
      %dma_wait3A_367 = tpu.memref_squeeze %dma_wait3A_366 : memref<1x128x128xf32, #tpu.memory_space<vmem>> -> memref<128x128xf32, #tpu.memory_space<vmem>>
      tpu.wait_dma2 semaphore(%run_scoped3A_343 : memref<!tpu.dma_semaphore, #tpu.memory_space<semaphore_mem>>) src(%dma_wait3A_367 : memref<128x128xf32, #tpu.memory_space<vmem>>) dst(%dma_wait3A_363 : memref<128x128xf32, #tpu.memory_space<vmem_shared>>)
      tpu.yield
    }) : () -> ()
    %add3A_12 = arith.constant 256 : i32
    %add3A_13 = arith.addi %mul3A_6, %add3A_12 : i32
    %run_scoped3A_14 = arith.constant 0 : i32
    "tpu.region"() ({
      %run_scoped3A_343 = tpu.sem_alloc : memref<!tpu.dma_semaphore, #tpu.memory_space<semaphore_mem>>
      %dma_start3A_344 = arith.constant 0 : i32
      %dma_start3A_345 = arith.constant 0 : i32
      %dma_start3A_346 = tpu.memref_slice %arg6[%run_scoped3A_14, %dma_start3A_344, %dma_start3A_345] : memref<2x128x128xf32, #tpu.memory_space<vmem>> -> memref<1x128x128xf32, #tpu.memory_space<vmem>>
      %dma_start3A_347 = tpu.memref_squeeze %dma_start3A_346 : memref<1x128x128xf32, #tpu.memory_space<vmem>> -> memref<128x128xf32, #tpu.memory_space<vmem>>
      %dma_start3A_348 = arith.constant 0 : i32
      %dma_start3A_349 = tpu.memref_slice %arg7[%add3A_13, %dma_start3A_348] : memref<10240x128xf32, #tpu.memory_space<vmem_shared>> -> memref<128x128xf32, #tpu.memory_space<vmem_shared>>
      %dma_start3A_350 = arith.constant 0 : i32
      %dma_start3A_351 = tpu.memref_slice %arg7[%add3A_13, %dma_start3A_350] : memref<10240x128xf32, #tpu.memory_space<vmem_shared>> -> memref<128x128xf32, #tpu.memory_space<vmem_shared>>
      %dma_start3A_352 = arith.constant 0 : i32
      %dma_start3A_353 = arith.constant 0 : i32
      %dma_start3A_354 = tpu.memref_slice %arg6[%run_scoped3A_14, %dma_start3A_352, %dma_start3A_353] : memref<2x128x128xf32, #tpu.memory_space<vmem>> -> memref<1x128x128xf32, #tpu.memory_space<vmem>>
      %dma_start3A_355 = tpu.memref_squeeze %dma_start3A_354 : memref<1x128x128xf32, #tpu.memory_space<vmem>> -> memref<128x128xf32, #tpu.memory_space<vmem>>
      tpu.enqueue_dma source(%dma_start3A_355 : memref<128x128xf32, #tpu.memory_space<vmem>>) target(%dma_start3A_351 : memref<128x128xf32, #tpu.memory_space<vmem_shared>>) target_semaphore(%run_scoped3A_343 : memref<!tpu.dma_semaphore, #tpu.memory_space<semaphore_mem>>)
      %dma_wait3A_356 = arith.constant 0 : i32
      %dma_wait3A_357 = arith.constant 0 : i32
      %dma_wait3A_358 = tpu.memref_slice %arg6[%run_scoped3A_14, %dma_wait3A_356, %dma_wait3A_357] : memref<2x128x128xf32, #tpu.memory_space<vmem>> -> memref<1x128x128xf32, #tpu.memory_space<vmem>>
      %dma_wait3A_359 = tpu.memref_squeeze %dma_wait3A_358 : memref<1x128x128xf32, #tpu.memory_space<vmem>> -> memref<128x128xf32, #tpu.memory_space<vmem>>
      %dma_wait3A_360 = arith.constant 0 : i32
      %dma_wait3A_361 = tpu.memref_slice %arg7[%add3A_13, %dma_wait3A_360] : memref<10240x128xf32, #tpu.memory_space<vmem_shared>> -> memref<128x128xf32, #tpu.memory_space<vmem_shared>>
      %dma_wait3A_362 = arith.constant 0 : i32
      %dma_wait3A_363 = tpu.memref_slice %arg7[%add3A_13, %dma_wait3A_362] : memref<10240x128xf32, #tpu.memory_space<vmem_shared>> -> memref<128x128xf32, #tpu.memory_space<vmem_shared>>
      %dma_wait3A_364 = arith.constant 0 : i32
      %dma_wait3A_365 = arith.constant 0 : i32
      %dma_wait3A_366 = tpu.memref_slice %arg6[%run_scoped3A_14, %dma_wait3A_364, %dma_wait3A_365] : memref<2x128x128xf32, #tpu.memory_space<vmem>> -> memref<1x128x128xf32, #tpu.memory_space<vmem>>
      %dma_wait3A_367 = tpu.memref_squeeze %dma_wait3A_366 : memref<1x128x128xf32, #tpu.memory_space<vmem>> -> memref<128x128xf32, #tpu.memory_space<vmem>>
      tpu.wait_dma2 semaphore(%run_scoped3A_343 : memref<!tpu.dma_semaphore, #tpu.memory_space<semaphore_mem>>) src(%dma_wait3A_367 : memref<128x128xf32, #tpu.memory_space<vmem>>) dst(%dma_wait3A_363 : memref<128x128xf32, #tpu.memory_space<vmem_shared>>)
      tpu.yield
    }) : () -> ()
    %add3A_15 = arith.constant 384 : i32
    %add3A_16 = arith.addi %mul3A_6, %add3A_15 : i32
    %run_scoped3A_17 = arith.constant 0 : i32
    "tpu.region"() ({
      %run_scoped3A_343 = tpu.sem_alloc : memref<!tpu.dma_semaphore, #tpu.memory_space<semaphore_mem>>
      %dma_start3A_344 = arith.constant 0 : i32
      %dma_start3A_345 = arith.constant 0 : i32
      %dma_start3A_346 = tpu.memref_slice %arg6[%run_scoped3A_17, %dma_start3A_344, %dma_start3A_345] : memref<2x128x128xf32, #tpu.memory_space<vmem>> -> memref<1x128x128xf32, #tpu.memory_space<vmem>>
      %dma_start3A_347 = tpu.memref_squeeze %dma_start3A_346 : memref<1x128x128xf32, #tpu.memory_space<vmem>> -> memref<128x128xf32, #tpu.memory_space<vmem>>
      %dma_start3A_348 = arith.constant 0 : i32
      %dma_start3A_349 = tpu.memref_slice %arg7[%add3A_16, %dma_start3A_348] : memref<10240x128xf32, #tpu.memory_space<vmem_shared>> -> memref<128x128xf32, #tpu.memory_space<vmem_shared>>
      %dma_start3A_350 = arith.constant 0 : i32
      %dma_start3A_351 = tpu.memref_slice %arg7[%add3A_16, %dma_start3A_350] : memref<10240x128xf32, #tpu.memory_space<vmem_shared>> -> memref<128x128xf32, #tpu.memory_space<vmem_shared>>
      %dma_start3A_352 = arith.constant 0 : i32
      %dma_start3A_353 = arith.constant 0 : i32
      %dma_start3A_354 = tpu.memref_slice %arg6[%run_scoped3A_17, %dma_start3A_352, %dma_start3A_353] : memref<2x128x128xf32, #tpu.memory_space<vmem>> -> memref<1x128x128xf32, #tpu.memory_space<vmem>>
      %dma_start3A_355 = tpu.memref_squeeze %dma_start3A_354 : memref<1x128x128xf32, #tpu.memory_space<vmem>> -> memref<128x128xf32, #tpu.memory_space<vmem>>
      tpu.enqueue_dma source(%dma_start3A_355 : memref<128x128xf32, #tpu.memory_space<vmem>>) target(%dma_start3A_351 : memref<128x128xf32, #tpu.memory_space<vmem_shared>>) target_semaphore(%run_scoped3A_343 : memref<!tpu.dma_semaphore, #tpu.memory_space<semaphore_mem>>)
      %dma_wait3A_356 = arith.constant 0 : i32
      %dma_wait3A_357 = arith.constant 0 : i32
      %dma_wait3A_358 = tpu.memref_slice %arg6[%run_scoped3A_17, %dma_wait3A_356, %dma_wait3A_357] : memref<2x128x128xf32, #tpu.memory_space<vmem>> -> memref<1x128x128xf32, #tpu.memory_space<vmem>>
      %dma_wait3A_359 = tpu.memref_squeeze %dma_wait3A_358 : memref<1x128x128xf32, #tpu.memory_space<vmem>> -> memref<128x128xf32, #tpu.memory_space<vmem>>
      %dma_wait3A_360 = arith.constant 0 : i32
      %dma_wait3A_361 = tpu.memref_slice %arg7[%add3A_16, %dma_wait3A_360] : memref<10240x128xf32, #tpu.memory_space<vmem_shared>> -> memref<128x128xf32, #tpu.memory_space<vmem_shared>>
      %dma_wait3A_362 = arith.constant 0 : i32
      %dma_wait3A_363 = tpu.memref_slice %arg7[%add3A_16, %dma_wait3A_362] : memref<10240x128xf32, #tpu.memory_space<vmem_shared>> -> memref<128x128xf32, #tpu.memory_space<vmem_shared>>
      %dma_wait3A_364 = arith.constant 0 : i32
      %dma_wait3A_365 = arith.constant 0 : i32
      %dma_wait3A_366 = tpu.memref_slice %arg6[%run_scoped3A_17, %dma_wait3A_364, %dma_wait3A_365] : memref<2x128x128xf32, #tpu.memory_space<vmem>> -> memref<1x128x128xf32, #tpu.memory_space<vmem>>
      %dma_wait3A_367 = tpu.memref_squeeze %dma_wait3A_366 : memref<1x128x128xf32, #tpu.memory_space<vmem>> -> memref<128x128xf32, #tpu.memory_space<vmem>>
      tpu.wait_dma2 semaphore(%run_scoped3A_343 : memref<!tpu.dma_semaphore, #tpu.memory_space<semaphore_mem>>) src(%dma_wait3A_367 : memref<128x128xf32, #tpu.memory_space<vmem>>) dst(%dma_wait3A_363 : memref<128x128xf32, #tpu.memory_space<vmem_shared>>)
      tpu.yield
    }) : () -> ()
    %add3A_18 = arith.constant 512 : i32
    %add3A_19 = arith.addi %mul3A_6, %add3A_18 : i32
    %run_scoped3A_20 = arith.constant 0 : i32
    "tpu.region"() ({
      %run_scoped3A_343 = tpu.sem_alloc : memref<!tpu.dma_semaphore, #tpu.memory_space<semaphore_mem>>
      %dma_start3A_344 = arith.constant 0 : i32
      %dma_start3A_345 = arith.constant 0 : i32
      %dma_start3A_346 = tpu.memref_slice %arg6[%run_scoped3A_20, %dma_start3A_344, %dma_start3A_345] : memref<2x128x128xf32, #tpu.memory_space<vmem>> -> memref<1x128x128xf32, #tpu.memory_space<vmem>>
      %dma_start3A_347 = tpu.memref_squeeze %dma_start3A_346 : memref<1x128x128xf32, #tpu.memory_space<vmem>> -> memref<128x128xf32, #tpu.memory_space<vmem>>
      %dma_start3A_348 = arith.constant 0 : i32
      %dma_start3A_349 = tpu.memref_slice %arg7[%add3A_19, %dma_start3A_348] : memref<10240x128xf32, #tpu.memory_space<vmem_shared>> -> memref<128x128xf32, #tpu.memory_space<vmem_shared>>
      %dma_start3A_350 = arith.constant 0 : i32
      %dma_start3A_351 = tpu.memref_slice %arg7[%add3A_19, %dma_start3A_350] : memref<10240x128xf32, #tpu.memory_space<vmem_shared>> -> memref<128x128xf32, #tpu.memory_space<vmem_shared>>
      %dma_start3A_352 = arith.constant 0 : i32
      %dma_start3A_353 = arith.constant 0 : i32
      %dma_start3A_354 = tpu.memref_slice %arg6[%run_scoped3A_20, %dma_start3A_352, %dma_start3A_353] : memref<2x128x128xf32, #tpu.memory_space<vmem>> -> memref<1x128x128xf32, #tpu.memory_space<vmem>>
      %dma_start3A_355 = tpu.memref_squeeze %dma_start3A_354 : memref<1x128x128xf32, #tpu.memory_space<vmem>> -> memref<128x128xf32, #tpu.memory_space<vmem>>
      tpu.enqueue_dma source(%dma_start3A_355 : memref<128x128xf32, #tpu.memory_space<vmem>>) target(%dma_start3A_351 : memref<128x128xf32, #tpu.memory_space<vmem_shared>>) target_semaphore(%run_scoped3A_343 : memref<!tpu.dma_semaphore, #tpu.memory_space<semaphore_mem>>)
      %dma_wait3A_356 = arith.constant 0 : i32
      %dma_wait3A_357 = arith.constant 0 : i32
      %dma_wait3A_358 = tpu.memref_slice %arg6[%run_scoped3A_20, %dma_wait3A_356, %dma_wait3A_357] : memref<2x128x128xf32, #tpu.memory_space<vmem>> -> memref<1x128x128xf32, #tpu.memory_space<vmem>>
      %dma_wait3A_359 = tpu.memref_squeeze %dma_wait3A_358 : memref<1x128x128xf32, #tpu.memory_space<vmem>> -> memref<128x128xf32, #tpu.memory_space<vmem>>
      %dma_wait3A_360 = arith.constant 0 : i32
      %dma_wait3A_361 = tpu.memref_slice %arg7[%add3A_19, %dma_wait3A_360] : memref<10240x128xf32, #tpu.memory_space<vmem_shared>> -> memref<128x128xf32, #tpu.memory_space<vmem_shared>>
      %dma_wait3A_362 = arith.constant 0 : i32
      %dma_wait3A_363 = tpu.memref_slice %arg7[%add3A_19, %dma_wait3A_362] : memref<10240x128xf32, #tpu.memory_space<vmem_shared>> -> memref<128x128xf32, #tpu.memory_space<vmem_shared>>
      %dma_wait3A_364 = arith.constant 0 : i32
      %dma_wait3A_365 = arith.constant 0 : i32
      %dma_wait3A_366 = tpu.memref_slice %arg6[%run_scoped3A_20, %dma_wait3A_364, %dma_wait3A_365] : memref<2x128x128xf32, #tpu.memory_space<vmem>> -> memref<1x128x128xf32, #tpu.memory_space<vmem>>
      %dma_wait3A_367 = tpu.memref_squeeze %dma_wait3A_366 : memref<1x128x128xf32, #tpu.memory_space<vmem>> -> memref<128x128xf32, #tpu.memory_space<vmem>>
      tpu.wait_dma2 semaphore(%run_scoped3A_343 : memref<!tpu.dma_semaphore, #tpu.memory_space<semaphore_mem>>) src(%dma_wait3A_367 : memref<128x128xf32, #tpu.memory_space<vmem>>) dst(%dma_wait3A_363 : memref<128x128xf32, #tpu.memory_space<vmem_shared>>)
      tpu.yield
    }) : () -> ()
    %run_scoped3A_21 = arith.constant 0 : i32
    %run_scoped3A_22 = arith.constant 0 : i32
    "tpu.region"() ({
      %run_scoped3A_343 = tpu.sem_alloc : memref<!tpu.dma_semaphore, #tpu.memory_space<semaphore_mem>>
      %dma_start3A_344 = arith.constant 0 : i32
      %dma_start3A_345 = arith.constant 0 : i32
      %dma_start3A_346 = tpu.memref_slice %arg5[%run_scoped3A_22, %dma_start3A_344, %dma_start3A_345] : memref<4x2x128xi32, #tpu.memory_space<vmem>> -> memref<1x2x128xi32, #tpu.memory_space<vmem>>
      %dma_start3A_347 = tpu.memref_squeeze %dma_start3A_346 : memref<1x2x128xi32, #tpu.memory_space<vmem>> -> memref<2x128xi32, #tpu.memory_space<vmem>>
      %dma_start3A_348 = arith.constant 0 : i32
      %dma_start3A_349 = arith.constant 0 : i32
      %dma_start3A_350 = tpu.memref_slice %arg3[%add3A, %run_scoped3A_21, %dma_start3A_348, %dma_start3A_349] : memref<32x80x2x128xi32, #tpu.memory_space<hbm>> -> memref<1x1x2x128xi32, #tpu.memory_space<hbm>>
      %dma_start3A_351 = tpu.memref_squeeze %dma_start3A_350 : memref<1x1x2x128xi32, #tpu.memory_space<hbm>> -> memref<2x128xi32, #tpu.memory_space<hbm>>
      %dma_start3A_352 = arith.constant 0 : i32
      %dma_start3A_353 = arith.constant 0 : i32
      %dma_start3A_354 = tpu.memref_slice %arg5[%run_scoped3A_22, %dma_start3A_352, %dma_start3A_353] : memref<4x2x128xi32, #tpu.memory_space<vmem>> -> memref<1x2x128xi32, #tpu.memory_space<vmem>>
      %dma_start3A_355 = tpu.memref_squeeze %dma_start3A_354 : memref<1x2x128xi32, #tpu.memory_space<vmem>> -> memref<2x128xi32, #tpu.memory_space<vmem>>
      %dma_start3A_356 = arith.constant 0 : i32
      %dma_start3A_357 = arith.constant 0 : i32
      %dma_start3A_358 = tpu.memref_slice %arg3[%add3A, %run_scoped3A_21, %dma_start3A_356, %dma_start3A_357] : memref<32x80x2x128xi32, #tpu.memory_space<hbm>> -> memref<1x1x2x128xi32, #tpu.memory_space<hbm>>
      %dma_start3A_359 = tpu.memref_squeeze %dma_start3A_358 : memref<1x1x2x128xi32, #tpu.memory_space<hbm>> -> memref<2x128xi32, #tpu.memory_space<hbm>>
      tpu.enqueue_dma source(%dma_start3A_359 : memref<2x128xi32, #tpu.memory_space<hbm>>) target(%dma_start3A_355 : memref<2x128xi32, #tpu.memory_space<vmem>>) target_semaphore(%run_scoped3A_343 : memref<!tpu.dma_semaphore, #tpu.memory_space<semaphore_mem>>)
      %dma_wait3A_360 = arith.constant 0 : i32
      %dma_wait3A_361 = arith.constant 0 : i32
      %dma_wait3A_362 = tpu.memref_slice %arg5[%run_scoped3A_22, %dma_wait3A_360, %dma_wait3A_361] : memref<4x2x128xi32, #tpu.memory_space<vmem>> -> memref<1x2x128xi32, #tpu.memory_space<vmem>>
      %dma_wait3A_363 = tpu.memref_squeeze %dma_wait3A_362 : memref<1x2x128xi32, #tpu.memory_space<vmem>> -> memref<2x128xi32, #tpu.memory_space<vmem>>
      %dma_wait3A_364 = arith.constant 0 : i32
      %dma_wait3A_365 = arith.constant 0 : i32
      %dma_wait3A_366 = tpu.memref_slice %arg3[%add3A, %run_scoped3A_21, %dma_wait3A_364, %dma_wait3A_365] : memref<32x80x2x128xi32, #tpu.memory_space<hbm>> -> memref<1x1x2x128xi32, #tpu.memory_space<hbm>>
      %dma_wait3A_367 = tpu.memref_squeeze %dma_wait3A_366 : memref<1x1x2x128xi32, #tpu.memory_space<hbm>> -> memref<2x128xi32, #tpu.memory_space<hbm>>
      %dma_wait3A_368 = arith.constant 0 : i32
      %dma_wait3A_369 = arith.constant 0 : i32
      %dma_wait3A_370 = tpu.memref_slice %arg5[%run_scoped3A_22, %dma_wait3A_368, %dma_wait3A_369] : memref<4x2x128xi32, #tpu.memory_space<vmem>> -> memref<1x2x128xi32, #tpu.memory_space<vmem>>
      %dma_wait3A_371 = tpu.memref_squeeze %dma_wait3A_370 : memref<1x2x128xi32, #tpu.memory_space<vmem>> -> memref<2x128xi32, #tpu.memory_space<vmem>>
      %dma_wait3A_372 = arith.constant 0 : i32
      %dma_wait3A_373 = arith.constant 0 : i32
      %dma_wait3A_374 = tpu.memref_slice %arg3[%add3A, %run_scoped3A_21, %dma_wait3A_372, %dma_wait3A_373] : memref<32x80x2x128xi32, #tpu.memory_space<hbm>> -> memref<1x1x2x128xi32, #tpu.memory_space<hbm>>
      %dma_wait3A_375 = tpu.memref_squeeze %dma_wait3A_374 : memref<1x1x2x128xi32, #tpu.memory_space<hbm>> -> memref<2x128xi32, #tpu.memory_space<hbm>>
      tpu.wait_dma2 semaphore(%run_scoped3A_343 : memref<!tpu.dma_semaphore, #tpu.memory_space<semaphore_mem>>) src(%dma_wait3A_375 : memref<2x128xi32, #tpu.memory_space<hbm>>) dst(%dma_wait3A_371 : memref<2x128xi32, #tpu.memory_space<vmem>>)
      tpu.yield
    }) : () -> ()
    %dma_start3A = arith.constant 1 : i32
    %dma_start3A_23 = arith.constant 1 : i32
    %dma_start3A_24 = arith.constant 0 : i32
    %dma_start3A_25 = arith.constant 0 : i32
    %dma_start3A_26 = tpu.memref_slice %arg5[%dma_start3A_23, %dma_start3A_24, %dma_start3A_25] : memref<4x2x128xi32, #tpu.memory_space<vmem>> -> memref<1x2x128xi32, #tpu.memory_space<vmem>>
    %dma_start3A_27 = tpu.memref_squeeze %dma_start3A_26 : memref<1x2x128xi32, #tpu.memory_space<vmem>> -> memref<2x128xi32, #tpu.memory_space<vmem>>
    %dma_start3A_28 = arith.constant 0 : i32
    %dma_start3A_29 = arith.constant 0 : i32
    %dma_start3A_30 = tpu.memref_slice %arg3[%add3A, %dma_start3A, %dma_start3A_28, %dma_start3A_29] : memref<32x80x2x128xi32, #tpu.memory_space<hbm>> -> memref<1x1x2x128xi32, #tpu.memory_space<hbm>>
    %dma_start3A_31 = tpu.memref_squeeze %dma_start3A_30 : memref<1x1x2x128xi32, #tpu.memory_space<hbm>> -> memref<2x128xi32, #tpu.memory_space<hbm>>
    %dma_start3A_32 = arith.constant 0 : i32
    %dma_start3A_33 = arith.constant 0 : i32
    %dma_start3A_34 = tpu.memref_slice %arg5[%dma_start3A_23, %dma_start3A_32, %dma_start3A_33] : memref<4x2x128xi32, #tpu.memory_space<vmem>> -> memref<1x2x128xi32, #tpu.memory_space<vmem>>
    %dma_start3A_35 = tpu.memref_squeeze %dma_start3A_34 : memref<1x2x128xi32, #tpu.memory_space<vmem>> -> memref<2x128xi32, #tpu.memory_space<vmem>>
    %dma_start3A_36 = arith.constant 0 : i32
    %dma_start3A_37 = arith.constant 0 : i32
    %dma_start3A_38 = tpu.memref_slice %arg3[%add3A, %dma_start3A, %dma_start3A_36, %dma_start3A_37] : memref<32x80x2x128xi32, #tpu.memory_space<hbm>> -> memref<1x1x2x128xi32, #tpu.memory_space<hbm>>
    %dma_start3A_39 = tpu.memref_squeeze %dma_start3A_38 : memref<1x1x2x128xi32, #tpu.memory_space<hbm>> -> memref<2x128xi32, #tpu.memory_space<hbm>>
    tpu.enqueue_dma source(%dma_start3A_39 : memref<2x128xi32, #tpu.memory_space<hbm>>) target(%dma_start3A_35 : memref<2x128xi32, #tpu.memory_space<vmem>>) target_semaphore(%arg13 : memref<!tpu.dma_semaphore, #tpu.memory_space<semaphore_mem>>)
    %dma_start3A_40 = arith.constant 0 : i32
    %dma_start3A_41 = arith.constant 0 : i32
    %dma_start3A_42 = arith.constant 0 : i32
    %dma_start3A_43 = arith.constant 0 : i32
    %dma_start3A_44 = arith.constant 0 : i32
    %dma_start3A_45 = tpu.memref_slice %arg6[%dma_start3A_42, %dma_start3A_43, %dma_start3A_44] : memref<2x128x128xf32, #tpu.memory_space<vmem>> -> memref<1x128x128xf32, #tpu.memory_space<vmem>>
    %dma_start3A_46 = tpu.memref_squeeze %dma_start3A_45 : memref<1x128x128xf32, #tpu.memory_space<vmem>> -> memref<128x128xf32, #tpu.memory_space<vmem>>
    %dma_start3A_47 = arith.constant 0 : i32
    %dma_start3A_48 = tpu.memref_slice %arg5[%dma_start3A_40, %dma_start3A_41, %dma_start3A_47] : memref<4x2x128xi32, #tpu.memory_space<vmem>> -> memref<1x1x128xi32, #tpu.memory_space<vmem>>
    %dma_start3A_49 = tpu.memref_squeeze %dma_start3A_48 : memref<1x1x128xi32, #tpu.memory_space<vmem>> -> memref<128xi32, #tpu.memory_space<vmem>>
    %dma_start3A_50 = arith.constant 0 : i32
    %dma_start3A_51 = arith.constant 0 : i32
    %dma_start3A_52 = tpu.memref_slice %arg2[%dma_start3A_50, %dma_start3A_51] : memref<10000x128xf32, #tpu.memory_space<hbm>> -> memref<10000x128xf32, #tpu.memory_space<hbm>>
    tpu.enqueue_indirect_dma source(%dma_start3A_52 : memref<10000x128xf32, #tpu.memory_space<hbm>>) target(%dma_start3A_46 : memref<128x128xf32, #tpu.memory_space<vmem>>) offsets(%dma_start3A_49 : memref<128xi32, #tpu.memory_space<vmem>>) semaphore(%arg8 : memref<!tpu.dma_semaphore, #tpu.memory_space<semaphore_mem>>)
    %barrier3A = arith.constant 0 : index
    tpu.barrier barrier_id(%barrier3A)
    %dma_wait3A = arith.constant 0 : i32
    %dma_wait3A_53 = arith.constant 0 : i32
    %dma_wait3A_54 = arith.constant 0 : i32
    %dma_wait3A_55 = arith.constant 0 : i32
    %dma_wait3A_56 = arith.constant 0 : i32
    %dma_wait3A_57 = tpu.memref_slice %arg6[%dma_wait3A_54, %dma_wait3A_55, %dma_wait3A_56] : memref<2x128x128xf32, #tpu.memory_space<vmem>> -> memref<1x128x128xf32, #tpu.memory_space<vmem>>
    %dma_wait3A_58 = tpu.memref_squeeze %dma_wait3A_57 : memref<1x128x128xf32, #tpu.memory_space<vmem>> -> memref<128x128xf32, #tpu.memory_space<vmem>>
    %dma_wait3A_59 = arith.constant 0 : i32
    %dma_wait3A_60 = tpu.memref_slice %arg5[%dma_wait3A, %dma_wait3A_53, %dma_wait3A_59] : memref<4x2x128xi32, #tpu.memory_space<vmem>> -> memref<1x1x128xi32, #tpu.memory_space<vmem>>
    %dma_wait3A_61 = tpu.memref_squeeze %dma_wait3A_60 : memref<1x1x128xi32, #tpu.memory_space<vmem>> -> memref<128xi32, #tpu.memory_space<vmem>>
    %dma_wait3A_62 = arith.constant 0 : i32
    %dma_wait3A_63 = arith.constant 0 : i32
    %dma_wait3A_64 = tpu.memref_slice %arg2[%dma_wait3A_62, %dma_wait3A_63] : memref<10000x128xf32, #tpu.memory_space<hbm>> -> memref<10000x128xf32, #tpu.memory_space<hbm>>
    tpu.wait_indirect_dma semaphore(%arg8 : memref<!tpu.dma_semaphore, #tpu.memory_space<semaphore_mem>>) src(%dma_wait3A_64 : memref<10000x128xf32, #tpu.memory_space<hbm>>) dst(%dma_wait3A_58 : memref<128x128xf32, #tpu.memory_space<vmem>>)
    %dma_start3A_65 = arith.constant 0 : i32
    %dma_start3A_66 = arith.constant 0 : i32
    %dma_start3A_67 = arith.constant 1 : i32
    %dma_start3A_68 = arith.constant 0 : i32
    %dma_start3A_69 = arith.constant 0 : i32
    %dma_start3A_70 = tpu.memref_slice %arg6[%dma_start3A_65, %dma_start3A_68, %dma_start3A_69] : memref<2x128x128xf32, #tpu.memory_space<vmem>> -> memref<1x128x128xf32, #tpu.memory_space<vmem>>
    %dma_start3A_71 = tpu.memref_squeeze %dma_start3A_70 : memref<1x128x128xf32, #tpu.memory_space<vmem>> -> memref<128x128xf32, #tpu.memory_space<vmem>>
    %dma_start3A_72 = arith.constant 0 : i32
    %dma_start3A_73 = tpu.memref_slice %arg5[%dma_start3A_66, %dma_start3A_67, %dma_start3A_72] : memref<4x2x128xi32, #tpu.memory_space<vmem>> -> memref<1x1x128xi32, #tpu.memory_space<vmem>>
    %dma_start3A_74 = tpu.memref_squeeze %dma_start3A_73 : memref<1x1x128xi32, #tpu.memory_space<vmem>> -> memref<128xi32, #tpu.memory_space<vmem>>
    %dma_start3A_75 = arith.constant 0 : i32
    %dma_start3A_76 = arith.constant 0 : i32
    %dma_start3A_77 = tpu.memref_slice %arg7[%dma_start3A_75, %dma_start3A_76] : memref<10240x128xf32, #tpu.memory_space<vmem_shared>> -> memref<10240x128xf32, #tpu.memory_space<vmem_shared>>
    tpu.enqueue_indirect_dma source(%dma_start3A_71 : memref<128x128xf32, #tpu.memory_space<vmem>>) target(%dma_start3A_77 : memref<10240x128xf32, #tpu.memory_space<vmem_shared>>) offsets(%dma_start3A_74 : memref<128xi32, #tpu.memory_space<vmem>>) semaphore(%arg10 : memref<!tpu.dma_semaphore, #tpu.memory_space<semaphore_mem>>) {add = true}
    %dma_wait3A_78 = arith.constant 1 : i32
    %dma_wait3A_79 = arith.constant 1 : i32
    %dma_wait3A_80 = arith.constant 0 : i32
    %dma_wait3A_81 = arith.constant 0 : i32
    %dma_wait3A_82 = tpu.memref_slice %arg5[%dma_wait3A_79, %dma_wait3A_80, %dma_wait3A_81] : memref<4x2x128xi32, #tpu.memory_space<vmem>> -> memref<1x2x128xi32, #tpu.memory_space<vmem>>
    %dma_wait3A_83 = tpu.memref_squeeze %dma_wait3A_82 : memref<1x2x128xi32, #tpu.memory_space<vmem>> -> memref<2x128xi32, #tpu.memory_space<vmem>>
    %dma_wait3A_84 = arith.constant 0 : i32
    %dma_wait3A_85 = arith.constant 0 : i32
    %dma_wait3A_86 = tpu.memref_slice %arg3[%add3A, %dma_wait3A_78, %dma_wait3A_84, %dma_wait3A_85] : memref<32x80x2x128xi32, #tpu.memory_space<hbm>> -> memref<1x1x2x128xi32, #tpu.memory_space<hbm>>
    %dma_wait3A_87 = tpu.memref_squeeze %dma_wait3A_86 : memref<1x1x2x128xi32, #tpu.memory_space<hbm>> -> memref<2x128xi32, #tpu.memory_space<hbm>>
    %dma_wait3A_88 = arith.constant 0 : i32
    %dma_wait3A_89 = arith.constant 0 : i32
    %dma_wait3A_90 = tpu.memref_slice %arg5[%dma_wait3A_79, %dma_wait3A_88, %dma_wait3A_89] : memref<4x2x128xi32, #tpu.memory_space<vmem>> -> memref<1x2x128xi32, #tpu.memory_space<vmem>>
    %dma_wait3A_91 = tpu.memref_squeeze %dma_wait3A_90 : memref<1x2x128xi32, #tpu.memory_space<vmem>> -> memref<2x128xi32, #tpu.memory_space<vmem>>
    %dma_wait3A_92 = arith.constant 0 : i32
    %dma_wait3A_93 = arith.constant 0 : i32
    %dma_wait3A_94 = tpu.memref_slice %arg3[%add3A, %dma_wait3A_78, %dma_wait3A_92, %dma_wait3A_93] : memref<32x80x2x128xi32, #tpu.memory_space<hbm>> -> memref<1x1x2x128xi32, #tpu.memory_space<hbm>>
    %dma_wait3A_95 = tpu.memref_squeeze %dma_wait3A_94 : memref<1x1x2x128xi32, #tpu.memory_space<hbm>> -> memref<2x128xi32, #tpu.memory_space<hbm>>
    tpu.wait_dma2 semaphore(%arg13 : memref<!tpu.dma_semaphore, #tpu.memory_space<semaphore_mem>>) src(%dma_wait3A_95 : memref<2x128xi32, #tpu.memory_space<hbm>>) dst(%dma_wait3A_91 : memref<2x128xi32, #tpu.memory_space<vmem>>)
    %dma_start3A_96 = arith.constant 1 : i32
    %dma_start3A_97 = arith.constant 0 : i32
    %dma_start3A_98 = arith.constant 1 : i32
    %dma_start3A_99 = arith.constant 0 : i32
    %dma_start3A_100 = arith.constant 0 : i32
    %dma_start3A_101 = tpu.memref_slice %arg6[%dma_start3A_98, %dma_start3A_99, %dma_start3A_100] : memref<2x128x128xf32, #tpu.memory_space<vmem>> -> memref<1x128x128xf32, #tpu.memory_space<vmem>>
    %dma_start3A_102 = tpu.memref_squeeze %dma_start3A_101 : memref<1x128x128xf32, #tpu.memory_space<vmem>> -> memref<128x128xf32, #tpu.memory_space<vmem>>
    %dma_start3A_103 = arith.constant 0 : i32
    %dma_start3A_104 = tpu.memref_slice %arg5[%dma_start3A_96, %dma_start3A_97, %dma_start3A_103] : memref<4x2x128xi32, #tpu.memory_space<vmem>> -> memref<1x1x128xi32, #tpu.memory_space<vmem>>
    %dma_start3A_105 = tpu.memref_squeeze %dma_start3A_104 : memref<1x1x128xi32, #tpu.memory_space<vmem>> -> memref<128xi32, #tpu.memory_space<vmem>>
    %dma_start3A_106 = arith.constant 0 : i32
    %dma_start3A_107 = arith.constant 0 : i32
    %dma_start3A_108 = tpu.memref_slice %arg2[%dma_start3A_106, %dma_start3A_107] : memref<10000x128xf32, #tpu.memory_space<hbm>> -> memref<10000x128xf32, #tpu.memory_space<hbm>>
    tpu.enqueue_indirect_dma source(%dma_start3A_108 : memref<10000x128xf32, #tpu.memory_space<hbm>>) target(%dma_start3A_102 : memref<128x128xf32, #tpu.memory_space<vmem>>) offsets(%dma_start3A_105 : memref<128xi32, #tpu.memory_space<vmem>>) semaphore(%arg9 : memref<!tpu.dma_semaphore, #tpu.memory_space<semaphore_mem>>)
    %dma_start3A_109 = arith.constant 2 : i32
    %dma_start3A_110 = arith.constant 2 : i32
    %dma_start3A_111 = arith.constant 0 : i32
    %dma_start3A_112 = arith.constant 0 : i32
    %dma_start3A_113 = tpu.memref_slice %arg5[%dma_start3A_110, %dma_start3A_111, %dma_start3A_112] : memref<4x2x128xi32, #tpu.memory_space<vmem>> -> memref<1x2x128xi32, #tpu.memory_space<vmem>>
    %dma_start3A_114 = tpu.memref_squeeze %dma_start3A_113 : memref<1x2x128xi32, #tpu.memory_space<vmem>> -> memref<2x128xi32, #tpu.memory_space<vmem>>
    %dma_start3A_115 = arith.constant 0 : i32
    %dma_start3A_116 = arith.constant 0 : i32
    %dma_start3A_117 = tpu.memref_slice %arg3[%add3A, %dma_start3A_109, %dma_start3A_115, %dma_start3A_116] : memref<32x80x2x128xi32, #tpu.memory_space<hbm>> -> memref<1x1x2x128xi32, #tpu.memory_space<hbm>>
    %dma_start3A_118 = tpu.memref_squeeze %dma_start3A_117 : memref<1x1x2x128xi32, #tpu.memory_space<hbm>> -> memref<2x128xi32, #tpu.memory_space<hbm>>
    %dma_start3A_119 = arith.constant 0 : i32
    %dma_start3A_120 = arith.constant 0 : i32
    %dma_start3A_121 = tpu.memref_slice %arg5[%dma_start3A_110, %dma_start3A_119, %dma_start3A_120] : memref<4x2x128xi32, #tpu.memory_space<vmem>> -> memref<1x2x128xi32, #tpu.memory_space<vmem>>
    %dma_start3A_122 = tpu.memref_squeeze %dma_start3A_121 : memref<1x2x128xi32, #tpu.memory_space<vmem>> -> memref<2x128xi32, #tpu.memory_space<vmem>>
    %dma_start3A_123 = arith.constant 0 : i32
    %dma_start3A_124 = arith.constant 0 : i32
    %dma_start3A_125 = tpu.memref_slice %arg3[%add3A, %dma_start3A_109, %dma_start3A_123, %dma_start3A_124] : memref<32x80x2x128xi32, #tpu.memory_space<hbm>> -> memref<1x1x2x128xi32, #tpu.memory_space<hbm>>
    %dma_start3A_126 = tpu.memref_squeeze %dma_start3A_125 : memref<1x1x2x128xi32, #tpu.memory_space<hbm>> -> memref<2x128xi32, #tpu.memory_space<hbm>>
    tpu.enqueue_dma source(%dma_start3A_126 : memref<2x128xi32, #tpu.memory_space<hbm>>) target(%dma_start3A_122 : memref<2x128xi32, #tpu.memory_space<vmem>>) target_semaphore(%arg14 : memref<!tpu.dma_semaphore, #tpu.memory_space<semaphore_mem>>)
    %dma_wait3A_127 = arith.constant 1 : i32
    %dma_wait3A_128 = arith.constant 0 : i32
    %dma_wait3A_129 = arith.constant 1 : i32
    %dma_wait3A_130 = arith.constant 0 : i32
    %dma_wait3A_131 = arith.constant 0 : i32
    %dma_wait3A_132 = tpu.memref_slice %arg6[%dma_wait3A_129, %dma_wait3A_130, %dma_wait3A_131] : memref<2x128x128xf32, #tpu.memory_space<vmem>> -> memref<1x128x128xf32, #tpu.memory_space<vmem>>
    %dma_wait3A_133 = tpu.memref_squeeze %dma_wait3A_132 : memref<1x128x128xf32, #tpu.memory_space<vmem>> -> memref<128x128xf32, #tpu.memory_space<vmem>>
    %dma_wait3A_134 = arith.constant 0 : i32
    %dma_wait3A_135 = tpu.memref_slice %arg5[%dma_wait3A_127, %dma_wait3A_128, %dma_wait3A_134] : memref<4x2x128xi32, #tpu.memory_space<vmem>> -> memref<1x1x128xi32, #tpu.memory_space<vmem>>
    %dma_wait3A_136 = tpu.memref_squeeze %dma_wait3A_135 : memref<1x1x128xi32, #tpu.memory_space<vmem>> -> memref<128xi32, #tpu.memory_space<vmem>>
    %dma_wait3A_137 = arith.constant 0 : i32
    %dma_wait3A_138 = arith.constant 0 : i32
    %dma_wait3A_139 = tpu.memref_slice %arg2[%dma_wait3A_137, %dma_wait3A_138] : memref<10000x128xf32, #tpu.memory_space<hbm>> -> memref<10000x128xf32, #tpu.memory_space<hbm>>
    tpu.wait_indirect_dma semaphore(%arg9 : memref<!tpu.dma_semaphore, #tpu.memory_space<semaphore_mem>>) src(%dma_wait3A_139 : memref<10000x128xf32, #tpu.memory_space<hbm>>) dst(%dma_wait3A_133 : memref<128x128xf32, #tpu.memory_space<vmem>>)
    %dma_start3A_140 = arith.constant 1 : i32
    %dma_start3A_141 = arith.constant 1 : i32
    %dma_start3A_142 = arith.constant 1 : i32
    %dma_start3A_143 = arith.constant 0 : i32
    %dma_start3A_144 = arith.constant 0 : i32
    %dma_start3A_145 = tpu.memref_slice %arg6[%dma_start3A_140, %dma_start3A_143, %dma_start3A_144] : memref<2x128x128xf32, #tpu.memory_space<vmem>> -> memref<1x128x128xf32, #tpu.memory_space<vmem>>
    %dma_start3A_146 = tpu.memref_squeeze %dma_start3A_145 : memref<1x128x128xf32, #tpu.memory_space<vmem>> -> memref<128x128xf32, #tpu.memory_space<vmem>>
    %dma_start3A_147 = arith.constant 0 : i32
    %dma_start3A_148 = tpu.memref_slice %arg5[%dma_start3A_141, %dma_start3A_142, %dma_start3A_147] : memref<4x2x128xi32, #tpu.memory_space<vmem>> -> memref<1x1x128xi32, #tpu.memory_space<vmem>>
    %dma_start3A_149 = tpu.memref_squeeze %dma_start3A_148 : memref<1x1x128xi32, #tpu.memory_space<vmem>> -> memref<128xi32, #tpu.memory_space<vmem>>
    %dma_start3A_150 = arith.constant 0 : i32
    %dma_start3A_151 = arith.constant 0 : i32
    %dma_start3A_152 = tpu.memref_slice %arg7[%dma_start3A_150, %dma_start3A_151] : memref<10240x128xf32, #tpu.memory_space<vmem_shared>> -> memref<10240x128xf32, #tpu.memory_space<vmem_shared>>
    tpu.enqueue_indirect_dma source(%dma_start3A_146 : memref<128x128xf32, #tpu.memory_space<vmem>>) target(%dma_start3A_152 : memref<10240x128xf32, #tpu.memory_space<vmem_shared>>) offsets(%dma_start3A_149 : memref<128xi32, #tpu.memory_space<vmem>>) semaphore(%arg11 : memref<!tpu.dma_semaphore, #tpu.memory_space<semaphore_mem>>) {add = true}
    %dma_wait3A_153 = arith.constant 2 : i32
    %dma_wait3A_154 = arith.constant 2 : i32
    %dma_wait3A_155 = arith.constant 0 : i32
    %dma_wait3A_156 = arith.constant 0 : i32
    %dma_wait3A_157 = tpu.memref_slice %arg5[%dma_wait3A_154, %dma_wait3A_155, %dma_wait3A_156] : memref<4x2x128xi32, #tpu.memory_space<vmem>> -> memref<1x2x128xi32, #tpu.memory_space<vmem>>
    %dma_wait3A_158 = tpu.memref_squeeze %dma_wait3A_157 : memref<1x2x128xi32, #tpu.memory_space<vmem>> -> memref<2x128xi32, #tpu.memory_space<vmem>>
    %dma_wait3A_159 = arith.constant 0 : i32
    %dma_wait3A_160 = arith.constant 0 : i32
    %dma_wait3A_161 = tpu.memref_slice %arg3[%add3A, %dma_wait3A_153, %dma_wait3A_159, %dma_wait3A_160] : memref<32x80x2x128xi32, #tpu.memory_space<hbm>> -> memref<1x1x2x128xi32, #tpu.memory_space<hbm>>
    %dma_wait3A_162 = tpu.memref_squeeze %dma_wait3A_161 : memref<1x1x2x128xi32, #tpu.memory_space<hbm>> -> memref<2x128xi32, #tpu.memory_space<hbm>>
    %dma_wait3A_163 = arith.constant 0 : i32
    %dma_wait3A_164 = arith.constant 0 : i32
    %dma_wait3A_165 = tpu.memref_slice %arg5[%dma_wait3A_154, %dma_wait3A_163, %dma_wait3A_164] : memref<4x2x128xi32, #tpu.memory_space<vmem>> -> memref<1x2x128xi32, #tpu.memory_space<vmem>>
    %dma_wait3A_166 = tpu.memref_squeeze %dma_wait3A_165 : memref<1x2x128xi32, #tpu.memory_space<vmem>> -> memref<2x128xi32, #tpu.memory_space<vmem>>
    %dma_wait3A_167 = arith.constant 0 : i32
    %dma_wait3A_168 = arith.constant 0 : i32
    %dma_wait3A_169 = tpu.memref_slice %arg3[%add3A, %dma_wait3A_153, %dma_wait3A_167, %dma_wait3A_168] : memref<32x80x2x128xi32, #tpu.memory_space<hbm>> -> memref<1x1x2x128xi32, #tpu.memory_space<hbm>>
    %dma_wait3A_170 = tpu.memref_squeeze %dma_wait3A_169 : memref<1x1x2x128xi32, #tpu.memory_space<hbm>> -> memref<2x128xi32, #tpu.memory_space<hbm>>
    tpu.wait_dma2 semaphore(%arg14 : memref<!tpu.dma_semaphore, #tpu.memory_space<semaphore_mem>>) src(%dma_wait3A_170 : memref<2x128xi32, #tpu.memory_space<hbm>>) dst(%dma_wait3A_166 : memref<2x128xi32, #tpu.memory_space<vmem>>)
    %dma_wait3A_171 = arith.constant 0 : i32
    %dma_wait3A_172 = arith.constant 0 : i32
    %dma_wait3A_173 = arith.constant 1 : i32
    %dma_wait3A_174 = arith.constant 0 : i32
    %dma_wait3A_175 = arith.constant 0 : i32
    %dma_wait3A_176 = tpu.memref_slice %arg6[%dma_wait3A_171, %dma_wait3A_174, %dma_wait3A_175] : memref<2x128x128xf32, #tpu.memory_space<vmem>> -> memref<1x128x128xf32, #tpu.memory_space<vmem>>
    %dma_wait3A_177 = tpu.memref_squeeze %dma_wait3A_176 : memref<1x128x128xf32, #tpu.memory_space<vmem>> -> memref<128x128xf32, #tpu.memory_space<vmem>>
    %dma_wait3A_178 = arith.constant 0 : i32
    %dma_wait3A_179 = tpu.memref_slice %arg5[%dma_wait3A_172, %dma_wait3A_173, %dma_wait3A_178] : memref<4x2x128xi32, #tpu.memory_space<vmem>> -> memref<1x1x128xi32, #tpu.memory_space<vmem>>
    %dma_wait3A_180 = tpu.memref_squeeze %dma_wait3A_179 : memref<1x1x128xi32, #tpu.memory_space<vmem>> -> memref<128xi32, #tpu.memory_space<vmem>>
    %dma_wait3A_181 = arith.constant 0 : i32
    %dma_wait3A_182 = arith.constant 0 : i32
    %dma_wait3A_183 = tpu.memref_slice %arg7[%dma_wait3A_181, %dma_wait3A_182] : memref<10240x128xf32, #tpu.memory_space<vmem_shared>> -> memref<10240x128xf32, #tpu.memory_space<vmem_shared>>
    tpu.wait_indirect_dma semaphore(%arg10 : memref<!tpu.dma_semaphore, #tpu.memory_space<semaphore_mem>>) src(%dma_wait3A_177 : memref<128x128xf32, #tpu.memory_space<vmem>>) dst(%dma_wait3A_183 : memref<10240x128xf32, #tpu.memory_space<vmem_shared>>)
    %dma_start3A_184 = arith.constant 2 : i32
    %dma_start3A_185 = arith.constant 0 : i32
    %dma_start3A_186 = arith.constant 0 : i32
    %dma_start3A_187 = arith.constant 0 : i32
    %dma_start3A_188 = arith.constant 0 : i32
    %dma_start3A_189 = tpu.memref_slice %arg6[%dma_start3A_186, %dma_start3A_187, %dma_start3A_188] : memref<2x128x128xf32, #tpu.memory_space<vmem>> -> memref<1x128x128xf32, #tpu.memory_space<vmem>>
    %dma_start3A_190 = tpu.memref_squeeze %dma_start3A_189 : memref<1x128x128xf32, #tpu.memory_space<vmem>> -> memref<128x128xf32, #tpu.memory_space<vmem>>
    %dma_start3A_191 = arith.constant 0 : i32
    %dma_start3A_192 = tpu.memref_slice %arg5[%dma_start3A_184, %dma_start3A_185, %dma_start3A_191] : memref<4x2x128xi32, #tpu.memory_space<vmem>> -> memref<1x1x128xi32, #tpu.memory_space<vmem>>
    %dma_start3A_193 = tpu.memref_squeeze %dma_start3A_192 : memref<1x1x128xi32, #tpu.memory_space<vmem>> -> memref<128xi32, #tpu.memory_space<vmem>>
    %dma_start3A_194 = arith.constant 0 : i32
    %dma_start3A_195 = arith.constant 0 : i32
    %dma_start3A_196 = tpu.memref_slice %arg2[%dma_start3A_194, %dma_start3A_195] : memref<10000x128xf32, #tpu.memory_space<hbm>> -> memref<10000x128xf32, #tpu.memory_space<hbm>>
    tpu.enqueue_indirect_dma source(%dma_start3A_196 : memref<10000x128xf32, #tpu.memory_space<hbm>>) target(%dma_start3A_190 : memref<128x128xf32, #tpu.memory_space<vmem>>) offsets(%dma_start3A_193 : memref<128xi32, #tpu.memory_space<vmem>>) semaphore(%arg8 : memref<!tpu.dma_semaphore, #tpu.memory_space<semaphore_mem>>)
    %dma_start3A_197 = arith.constant 3 : i32
    %dma_start3A_198 = arith.constant 3 : i32
    %dma_start3A_199 = arith.constant 0 : i32
    %dma_start3A_200 = arith.constant 0 : i32
    %dma_start3A_201 = tpu.memref_slice %arg5[%dma_start3A_198, %dma_start3A_199, %dma_start3A_200] : memref<4x2x128xi32, #tpu.memory_space<vmem>> -> memref<1x2x128xi32, #tpu.memory_space<vmem>>
    %dma_start3A_202 = tpu.memref_squeeze %dma_start3A_201 : memref<1x2x128xi32, #tpu.memory_space<vmem>> -> memref<2x128xi32, #tpu.memory_space<vmem>>
    %dma_start3A_203 = arith.constant 0 : i32
    %dma_start3A_204 = arith.constant 0 : i32
    %dma_start3A_205 = tpu.memref_slice %arg3[%add3A, %dma_start3A_197, %dma_start3A_203, %dma_start3A_204] : memref<32x80x2x128xi32, #tpu.memory_space<hbm>> -> memref<1x1x2x128xi32, #tpu.memory_space<hbm>>
    %dma_start3A_206 = tpu.memref_squeeze %dma_start3A_205 : memref<1x1x2x128xi32, #tpu.memory_space<hbm>> -> memref<2x128xi32, #tpu.memory_space<hbm>>
    %dma_start3A_207 = arith.constant 0 : i32
    %dma_start3A_208 = arith.constant 0 : i32
    %dma_start3A_209 = tpu.memref_slice %arg5[%dma_start3A_198, %dma_start3A_207, %dma_start3A_208] : memref<4x2x128xi32, #tpu.memory_space<vmem>> -> memref<1x2x128xi32, #tpu.memory_space<vmem>>
    %dma_start3A_210 = tpu.memref_squeeze %dma_start3A_209 : memref<1x2x128xi32, #tpu.memory_space<vmem>> -> memref<2x128xi32, #tpu.memory_space<vmem>>
    %dma_start3A_211 = arith.constant 0 : i32
    %dma_start3A_212 = arith.constant 0 : i32
    %dma_start3A_213 = tpu.memref_slice %arg3[%add3A, %dma_start3A_197, %dma_start3A_211, %dma_start3A_212] : memref<32x80x2x128xi32, #tpu.memory_space<hbm>> -> memref<1x1x2x128xi32, #tpu.memory_space<hbm>>
    %dma_start3A_214 = tpu.memref_squeeze %dma_start3A_213 : memref<1x1x2x128xi32, #tpu.memory_space<hbm>> -> memref<2x128xi32, #tpu.memory_space<hbm>>
    tpu.enqueue_dma source(%dma_start3A_214 : memref<2x128xi32, #tpu.memory_space<hbm>>) target(%dma_start3A_210 : memref<2x128xi32, #tpu.memory_space<vmem>>) target_semaphore(%arg15 : memref<!tpu.dma_semaphore, #tpu.memory_space<semaphore_mem>>)
    %scan3A_215 = arith.constant 0 : i32
    %scan3A_216 = arith.constant 19 : i32
    %scan3A_217 = arith.addi %scan3A_215, %scan3A_216 : i32
    %scan3A_218 = arith.constant 1 : i32
    scf.for %scan3A_343 = %scan3A_215 to %scan3A_217 step %scan3A_218  : i32 {
      %mul3A_344 = arith.constant 4 : i32
      %mul3A_345 = arith.muli %scan3A_343, %mul3A_344 : i32
      %add3A_346 = arith.constant 2 : i32
      %add3A_347 = arith.addi %add3A_346, %mul3A_345 : i32
      %dma_wait3A_348 = arith.constant 2 : i32
      %dma_wait3A_349 = arith.constant 0 : i32
      %dma_wait3A_350 = arith.constant 0 : i32
      %dma_wait3A_351 = arith.constant 0 : i32
      %dma_wait3A_352 = arith.constant 0 : i32
      %dma_wait3A_353 = tpu.memref_slice %arg6[%dma_wait3A_350, %dma_wait3A_351, %dma_wait3A_352] : memref<2x128x128xf32, #tpu.memory_space<vmem>> -> memref<1x128x128xf32, #tpu.memory_space<vmem>>
      %dma_wait3A_354 = tpu.memref_squeeze %dma_wait3A_353 : memref<1x128x128xf32, #tpu.memory_space<vmem>> -> memref<128x128xf32, #tpu.memory_space<vmem>>
      %dma_wait3A_355 = arith.constant 0 : i32
      %dma_wait3A_356 = tpu.memref_slice %arg5[%dma_wait3A_348, %dma_wait3A_349, %dma_wait3A_355] : memref<4x2x128xi32, #tpu.memory_space<vmem>> -> memref<1x1x128xi32, #tpu.memory_space<vmem>>
      %dma_wait3A_357 = tpu.memref_squeeze %dma_wait3A_356 : memref<1x1x128xi32, #tpu.memory_space<vmem>> -> memref<128xi32, #tpu.memory_space<vmem>>
      %dma_wait3A_358 = arith.constant 0 : i32
      %dma_wait3A_359 = arith.constant 0 : i32
      %dma_wait3A_360 = tpu.memref_slice %arg2[%dma_wait3A_358, %dma_wait3A_359] : memref<10000x128xf32, #tpu.memory_space<hbm>> -> memref<10000x128xf32, #tpu.memory_space<hbm>>
      tpu.wait_indirect_dma semaphore(%arg8 : memref<!tpu.dma_semaphore, #tpu.memory_space<semaphore_mem>>) src(%dma_wait3A_360 : memref<10000x128xf32, #tpu.memory_space<hbm>>) dst(%dma_wait3A_354 : memref<128x128xf32, #tpu.memory_space<vmem>>)
      %dma_start3A_361 = arith.constant 0 : i32
      %dma_start3A_362 = arith.constant 2 : i32
      %dma_start3A_363 = arith.constant 1 : i32
      %dma_start3A_364 = arith.constant 0 : i32
      %dma_start3A_365 = arith.constant 0 : i32
      %dma_start3A_366 = tpu.memref_slice %arg6[%dma_start3A_361, %dma_start3A_364, %dma_start3A_365] : memref<2x128x128xf32, #tpu.memory_space<vmem>> -> memref<1x128x128xf32, #tpu.memory_space<vmem>>
      %dma_start3A_367 = tpu.memref_squeeze %dma_start3A_366 : memref<1x128x128xf32, #tpu.memory_space<vmem>> -> memref<128x128xf32, #tpu.memory_space<vmem>>
      %dma_start3A_368 = arith.constant 0 : i32
      %dma_start3A_369 = tpu.memref_slice %arg5[%dma_start3A_362, %dma_start3A_363, %dma_start3A_368] : memref<4x2x128xi32, #tpu.memory_space<vmem>> -> memref<1x1x128xi32, #tpu.memory_space<vmem>>
      %dma_start3A_370 = tpu.memref_squeeze %dma_start3A_369 : memref<1x1x128xi32, #tpu.memory_space<vmem>> -> memref<128xi32, #tpu.memory_space<vmem>>
      %dma_start3A_371 = arith.constant 0 : i32
      %dma_start3A_372 = arith.constant 0 : i32
      %dma_start3A_373 = tpu.memref_slice %arg7[%dma_start3A_371, %dma_start3A_372] : memref<10240x128xf32, #tpu.memory_space<vmem_shared>> -> memref<10240x128xf32, #tpu.memory_space<vmem_shared>>
      tpu.enqueue_indirect_dma source(%dma_start3A_367 : memref<128x128xf32, #tpu.memory_space<vmem>>) target(%dma_start3A_373 : memref<10240x128xf32, #tpu.memory_space<vmem_shared>>) offsets(%dma_start3A_370 : memref<128xi32, #tpu.memory_space<vmem>>) semaphore(%arg10 : memref<!tpu.dma_semaphore, #tpu.memory_space<semaphore_mem>>) {add = true}
      %add3A_374 = arith.constant 0 : i32
      %add3A_375 = arith.addi %add3A_347, %add3A_374 : i32
      %add3A_376 = arith.constant 1 : i32
      %add3A_377 = arith.addi %add3A_375, %add3A_376 : i32
      %dma_wait3A_378 = arith.constant 3 : i32
      %dma_wait3A_379 = arith.constant 0 : i32
      %dma_wait3A_380 = arith.constant 0 : i32
      %dma_wait3A_381 = tpu.memref_slice %arg5[%dma_wait3A_378, %dma_wait3A_379, %dma_wait3A_380] : memref<4x2x128xi32, #tpu.memory_space<vmem>> -> memref<1x2x128xi32, #tpu.memory_space<vmem>>
      %dma_wait3A_382 = tpu.memref_squeeze %dma_wait3A_381 : memref<1x2x128xi32, #tpu.memory_space<vmem>> -> memref<2x128xi32, #tpu.memory_space<vmem>>
      %dma_wait3A_383 = arith.constant 0 : i32
      %dma_wait3A_384 = arith.constant 0 : i32
      %dma_wait3A_385 = tpu.memref_slice %arg3[%add3A, %add3A_377, %dma_wait3A_383, %dma_wait3A_384] : memref<32x80x2x128xi32, #tpu.memory_space<hbm>> -> memref<1x1x2x128xi32, #tpu.memory_space<hbm>>
      %dma_wait3A_386 = tpu.memref_squeeze %dma_wait3A_385 : memref<1x1x2x128xi32, #tpu.memory_space<hbm>> -> memref<2x128xi32, #tpu.memory_space<hbm>>
      %dma_wait3A_387 = arith.constant 0 : i32
      %dma_wait3A_388 = arith.constant 0 : i32
      %dma_wait3A_389 = tpu.memref_slice %arg5[%dma_wait3A_378, %dma_wait3A_387, %dma_wait3A_388] : memref<4x2x128xi32, #tpu.memory_space<vmem>> -> memref<1x2x128xi32, #tpu.memory_space<vmem>>
      %dma_wait3A_390 = tpu.memref_squeeze %dma_wait3A_389 : memref<1x2x128xi32, #tpu.memory_space<vmem>> -> memref<2x128xi32, #tpu.memory_space<vmem>>
      %dma_wait3A_391 = arith.constant 0 : i32
      %dma_wait3A_392 = arith.constant 0 : i32
      %dma_wait3A_393 = tpu.memref_slice %arg3[%add3A, %add3A_377, %dma_wait3A_391, %dma_wait3A_392] : memref<32x80x2x128xi32, #tpu.memory_space<hbm>> -> memref<1x1x2x128xi32, #tpu.memory_space<hbm>>
      %dma_wait3A_394 = tpu.memref_squeeze %dma_wait3A_393 : memref<1x1x2x128xi32, #tpu.memory_space<hbm>> -> memref<2x128xi32, #tpu.memory_space<hbm>>
      tpu.wait_dma2 semaphore(%arg15 : memref<!tpu.dma_semaphore, #tpu.memory_space<semaphore_mem>>) src(%dma_wait3A_394 : memref<2x128xi32, #tpu.memory_space<hbm>>) dst(%dma_wait3A_390 : memref<2x128xi32, #tpu.memory_space<vmem>>)
      %dma_wait3A_395 = arith.constant 1 : i32
      %dma_wait3A_396 = arith.constant 1 : i32
      %dma_wait3A_397 = arith.constant 1 : i32
      %dma_wait3A_398 = arith.constant 0 : i32
      %dma_wait3A_399 = arith.constant 0 : i32
      %dma_wait3A_400 = tpu.memref_slice %arg6[%dma_wait3A_395, %dma_wait3A_398, %dma_wait3A_399] : memref<2x128x128xf32, #tpu.memory_space<vmem>> -> memref<1x128x128xf32, #tpu.memory_space<vmem>>
      %dma_wait3A_401 = tpu.memref_squeeze %dma_wait3A_400 : memref<1x128x128xf32, #tpu.memory_space<vmem>> -> memref<128x128xf32, #tpu.memory_space<vmem>>
      %dma_wait3A_402 = arith.constant 0 : i32
      %dma_wait3A_403 = tpu.memref_slice %arg5[%dma_wait3A_396, %dma_wait3A_397, %dma_wait3A_402] : memref<4x2x128xi32, #tpu.memory_space<vmem>> -> memref<1x1x128xi32, #tpu.memory_space<vmem>>
      %dma_wait3A_404 = tpu.memref_squeeze %dma_wait3A_403 : memref<1x1x128xi32, #tpu.memory_space<vmem>> -> memref<128xi32, #tpu.memory_space<vmem>>
      %dma_wait3A_405 = arith.constant 0 : i32
      %dma_wait3A_406 = arith.constant 0 : i32
      %dma_wait3A_407 = tpu.memref_slice %arg7[%dma_wait3A_405, %dma_wait3A_406] : memref<10240x128xf32, #tpu.memory_space<vmem_shared>> -> memref<10240x128xf32, #tpu.memory_space<vmem_shared>>
      tpu.wait_indirect_dma semaphore(%arg11 : memref<!tpu.dma_semaphore, #tpu.memory_space<semaphore_mem>>) src(%dma_wait3A_401 : memref<128x128xf32, #tpu.memory_space<vmem>>) dst(%dma_wait3A_407 : memref<10240x128xf32, #tpu.memory_space<vmem_shared>>)
      %dma_start3A_408 = arith.constant 3 : i32
      %dma_start3A_409 = arith.constant 0 : i32
      %dma_start3A_410 = arith.constant 1 : i32
      %dma_start3A_411 = arith.constant 0 : i32
      %dma_start3A_412 = arith.constant 0 : i32
      %dma_start3A_413 = tpu.memref_slice %arg6[%dma_start3A_410, %dma_start3A_411, %dma_start3A_412] : memref<2x128x128xf32, #tpu.memory_space<vmem>> -> memref<1x128x128xf32, #tpu.memory_space<vmem>>
      %dma_start3A_414 = tpu.memref_squeeze %dma_start3A_413 : memref<1x128x128xf32, #tpu.memory_space<vmem>> -> memref<128x128xf32, #tpu.memory_space<vmem>>
      %dma_start3A_415 = arith.constant 0 : i32
      %dma_start3A_416 = tpu.memref_slice %arg5[%dma_start3A_408, %dma_start3A_409, %dma_start3A_415] : memref<4x2x128xi32, #tpu.memory_space<vmem>> -> memref<1x1x128xi32, #tpu.memory_space<vmem>>
      %dma_start3A_417 = tpu.memref_squeeze %dma_start3A_416 : memref<1x1x128xi32, #tpu.memory_space<vmem>> -> memref<128xi32, #tpu.memory_space<vmem>>
      %dma_start3A_418 = arith.constant 0 : i32
      %dma_start3A_419 = arith.constant 0 : i32
      %dma_start3A_420 = tpu.memref_slice %arg2[%dma_start3A_418, %dma_start3A_419] : memref<10000x128xf32, #tpu.memory_space<hbm>> -> memref<10000x128xf32, #tpu.memory_space<hbm>>
      tpu.enqueue_indirect_dma source(%dma_start3A_420 : memref<10000x128xf32, #tpu.memory_space<hbm>>) target(%dma_start3A_414 : memref<128x128xf32, #tpu.memory_space<vmem>>) offsets(%dma_start3A_417 : memref<128xi32, #tpu.memory_space<vmem>>) semaphore(%arg9 : memref<!tpu.dma_semaphore, #tpu.memory_space<semaphore_mem>>)
      %add3A_421 = arith.constant 0 : i32
      %add3A_422 = arith.addi %add3A_347, %add3A_421 : i32
      %add3A_423 = arith.constant 2 : i32
      %add3A_424 = arith.addi %add3A_422, %add3A_423 : i32
      %dma_start3A_425 = arith.constant 0 : i32
      %dma_start3A_426 = arith.constant 0 : i32
      %dma_start3A_427 = arith.constant 0 : i32
      %dma_start3A_428 = tpu.memref_slice %arg5[%dma_start3A_425, %dma_start3A_426, %dma_start3A_427] : memref<4x2x128xi32, #tpu.memory_space<vmem>> -> memref<1x2x128xi32, #tpu.memory_space<vmem>>
      %dma_start3A_429 = tpu.memref_squeeze %dma_start3A_428 : memref<1x2x128xi32, #tpu.memory_space<vmem>> -> memref<2x128xi32, #tpu.memory_space<vmem>>
      %dma_start3A_430 = arith.constant 0 : i32
      %dma_start3A_431 = arith.constant 0 : i32
      %dma_start3A_432 = tpu.memref_slice %arg3[%add3A, %add3A_424, %dma_start3A_430, %dma_start3A_431] : memref<32x80x2x128xi32, #tpu.memory_space<hbm>> -> memref<1x1x2x128xi32, #tpu.memory_space<hbm>>
      %dma_start3A_433 = tpu.memref_squeeze %dma_start3A_432 : memref<1x1x2x128xi32, #tpu.memory_space<hbm>> -> memref<2x128xi32, #tpu.memory_space<hbm>>
      %dma_start3A_434 = arith.constant 0 : i32
      %dma_start3A_435 = arith.constant 0 : i32
      %dma_start3A_436 = tpu.memref_slice %arg5[%dma_start3A_425, %dma_start3A_434, %dma_start3A_435] : memref<4x2x128xi32, #tpu.memory_space<vmem>> -> memref<1x2x128xi32, #tpu.memory_space<vmem>>
      %dma_start3A_437 = tpu.memref_squeeze %dma_start3A_436 : memref<1x2x128xi32, #tpu.memory_space<vmem>> -> memref<2x128xi32, #tpu.memory_space<vmem>>
      %dma_start3A_438 = arith.constant 0 : i32
      %dma_start3A_439 = arith.constant 0 : i32
      %dma_start3A_440 = tpu.memref_slice %arg3[%add3A, %add3A_424, %dma_start3A_438, %dma_start3A_439] : memref<32x80x2x128xi32, #tpu.memory_space<hbm>> -> memref<1x1x2x128xi32, #tpu.memory_space<hbm>>
      %dma_start3A_441 = tpu.memref_squeeze %dma_start3A_440 : memref<1x1x2x128xi32, #tpu.memory_space<hbm>> -> memref<2x128xi32, #tpu.memory_space<hbm>>
      tpu.enqueue_dma source(%dma_start3A_441 : memref<2x128xi32, #tpu.memory_space<hbm>>) target(%dma_start3A_437 : memref<2x128xi32, #tpu.memory_space<vmem>>) target_semaphore(%arg12 : memref<!tpu.dma_semaphore, #tpu.memory_space<semaphore_mem>>)
      %dma_wait3A_442 = arith.constant 3 : i32
      %dma_wait3A_443 = arith.constant 0 : i32
      %dma_wait3A_444 = arith.constant 1 : i32
      %dma_wait3A_445 = arith.constant 0 : i32
      %dma_wait3A_446 = arith.constant 0 : i32
      %dma_wait3A_447 = tpu.memref_slice %arg6[%dma_wait3A_444, %dma_wait3A_445, %dma_wait3A_446] : memref<2x128x128xf32, #tpu.memory_space<vmem>> -> memref<1x128x128xf32, #tpu.memory_space<vmem>>
      %dma_wait3A_448 = tpu.memref_squeeze %dma_wait3A_447 : memref<1x128x128xf32, #tpu.memory_space<vmem>> -> memref<128x128xf32, #tpu.memory_space<vmem>>
      %dma_wait3A_449 = arith.constant 0 : i32
      %dma_wait3A_450 = tpu.memref_slice %arg5[%dma_wait3A_442, %dma_wait3A_443, %dma_wait3A_449] : memref<4x2x128xi32, #tpu.memory_space<vmem>> -> memref<1x1x128xi32, #tpu.memory_space<vmem>>
      %dma_wait3A_451 = tpu.memref_squeeze %dma_wait3A_450 : memref<1x1x128xi32, #tpu.memory_space<vmem>> -> memref<128xi32, #tpu.memory_space<vmem>>
      %dma_wait3A_452 = arith.constant 0 : i32
      %dma_wait3A_453 = arith.constant 0 : i32
      %dma_wait3A_454 = tpu.memref_slice %arg2[%dma_wait3A_452, %dma_wait3A_453] : memref<10000x128xf32, #tpu.memory_space<hbm>> -> memref<10000x128xf32, #tpu.memory_space<hbm>>
      tpu.wait_indirect_dma semaphore(%arg9 : memref<!tpu.dma_semaphore, #tpu.memory_space<semaphore_mem>>) src(%dma_wait3A_454 : memref<10000x128xf32, #tpu.memory_space<hbm>>) dst(%dma_wait3A_448 : memref<128x128xf32, #tpu.memory_space<vmem>>)
      %dma_start3A_455 = arith.constant 1 : i32
      %dma_start3A_456 = arith.constant 3 : i32
      %dma_start3A_457 = arith.constant 1 : i32
      %dma_start3A_458 = arith.constant 0 : i32
      %dma_start3A_459 = arith.constant 0 : i32
      %dma_start3A_460 = tpu.memref_slice %arg6[%dma_start3A_455, %dma_start3A_458, %dma_start3A_459] : memref<2x128x128xf32, #tpu.memory_space<vmem>> -> memref<1x128x128xf32, #tpu.memory_space<vmem>>
      %dma_start3A_461 = tpu.memref_squeeze %dma_start3A_460 : memref<1x128x128xf32, #tpu.memory_space<vmem>> -> memref<128x128xf32, #tpu.memory_space<vmem>>
      %dma_start3A_462 = arith.constant 0 : i32
      %dma_start3A_463 = tpu.memref_slice %arg5[%dma_start3A_456, %dma_start3A_457, %dma_start3A_462] : memref<4x2x128xi32, #tpu.memory_space<vmem>> -> memref<1x1x128xi32, #tpu.memory_space<vmem>>
      %dma_start3A_464 = tpu.memref_squeeze %dma_start3A_463 : memref<1x1x128xi32, #tpu.memory_space<vmem>> -> memref<128xi32, #tpu.memory_space<vmem>>
      %dma_start3A_465 = arith.constant 0 : i32
      %dma_start3A_466 = arith.constant 0 : i32
      %dma_start3A_467 = tpu.memref_slice %arg7[%dma_start3A_465, %dma_start3A_466] : memref<10240x128xf32, #tpu.memory_space<vmem_shared>> -> memref<10240x128xf32, #tpu.memory_space<vmem_shared>>
      tpu.enqueue_indirect_dma source(%dma_start3A_461 : memref<128x128xf32, #tpu.memory_space<vmem>>) target(%dma_start3A_467 : memref<10240x128xf32, #tpu.memory_space<vmem_shared>>) offsets(%dma_start3A_464 : memref<128xi32, #tpu.memory_space<vmem>>) semaphore(%arg11 : memref<!tpu.dma_semaphore, #tpu.memory_space<semaphore_mem>>) {add = true}
      %add3A_468 = arith.constant 1 : i32
      %add3A_469 = arith.addi %add3A_347, %add3A_468 : i32
      %add3A_470 = arith.constant 1 : i32
      %add3A_471 = arith.addi %add3A_469, %add3A_470 : i32
      %dma_wait3A_472 = arith.constant 0 : i32
      %dma_wait3A_473 = arith.constant 0 : i32
      %dma_wait3A_474 = arith.constant 0 : i32
      %dma_wait3A_475 = tpu.memref_slice %arg5[%dma_wait3A_472, %dma_wait3A_473, %dma_wait3A_474] : memref<4x2x128xi32, #tpu.memory_space<vmem>> -> memref<1x2x128xi32, #tpu.memory_space<vmem>>
      %dma_wait3A_476 = tpu.memref_squeeze %dma_wait3A_475 : memref<1x2x128xi32, #tpu.memory_space<vmem>> -> memref<2x128xi32, #tpu.memory_space<vmem>>
      %dma_wait3A_477 = arith.constant 0 : i32
      %dma_wait3A_478 = arith.constant 0 : i32
      %dma_wait3A_479 = tpu.memref_slice %arg3[%add3A, %add3A_471, %dma_wait3A_477, %dma_wait3A_478] : memref<32x80x2x128xi32, #tpu.memory_space<hbm>> -> memref<1x1x2x128xi32, #tpu.memory_space<hbm>>
      %dma_wait3A_480 = tpu.memref_squeeze %dma_wait3A_479 : memref<1x1x2x128xi32, #tpu.memory_space<hbm>> -> memref<2x128xi32, #tpu.memory_space<hbm>>
      %dma_wait3A_481 = arith.constant 0 : i32
      %dma_wait3A_482 = arith.constant 0 : i32
      %dma_wait3A_483 = tpu.memref_slice %arg5[%dma_wait3A_472, %dma_wait3A_481, %dma_wait3A_482] : memref<4x2x128xi32, #tpu.memory_space<vmem>> -> memref<1x2x128xi32, #tpu.memory_space<vmem>>
      %dma_wait3A_484 = tpu.memref_squeeze %dma_wait3A_483 : memref<1x2x128xi32, #tpu.memory_space<vmem>> -> memref<2x128xi32, #tpu.memory_space<vmem>>
      %dma_wait3A_485 = arith.constant 0 : i32
      %dma_wait3A_486 = arith.constant 0 : i32
      %dma_wait3A_487 = tpu.memref_slice %arg3[%add3A, %add3A_471, %dma_wait3A_485, %dma_wait3A_486] : memref<32x80x2x128xi32, #tpu.memory_space<hbm>> -> memref<1x1x2x128xi32, #tpu.memory_space<hbm>>
      %dma_wait3A_488 = tpu.memref_squeeze %dma_wait3A_487 : memref<1x1x2x128xi32, #tpu.memory_space<hbm>> -> memref<2x128xi32, #tpu.memory_space<hbm>>
      tpu.wait_dma2 semaphore(%arg12 : memref<!tpu.dma_semaphore, #tpu.memory_space<semaphore_mem>>) src(%dma_wait3A_488 : memref<2x128xi32, #tpu.memory_space<hbm>>) dst(%dma_wait3A_484 : memref<2x128xi32, #tpu.memory_space<vmem>>)
      %dma_wait3A_489 = arith.constant 0 : i32
      %dma_wait3A_490 = arith.constant 2 : i32
      %dma_wait3A_491 = arith.constant 1 : i32
      %dma_wait3A_492 = arith.constant 0 : i32
      %dma_wait3A_493 = arith.constant 0 : i32
      %dma_wait3A_494 = tpu.memref_slice %arg6[%dma_wait3A_489, %dma_wait3A_492, %dma_wait3A_493] : memref<2x128x128xf32, #tpu.memory_space<vmem>> -> memref<1x128x128xf32, #tpu.memory_space<vmem>>
      %dma_wait3A_495 = tpu.memref_squeeze %dma_wait3A_494 : memref<1x128x128xf32, #tpu.memory_space<vmem>> -> memref<128x128xf32, #tpu.memory_space<vmem>>
      %dma_wait3A_496 = arith.constant 0 : i32
      %dma_wait3A_497 = tpu.memref_slice %arg5[%dma_wait3A_490, %dma_wait3A_491, %dma_wait3A_496] : memref<4x2x128xi32, #tpu.memory_space<vmem>> -> memref<1x1x128xi32, #tpu.memory_space<vmem>>
      %dma_wait3A_498 = tpu.memref_squeeze %dma_wait3A_497 : memref<1x1x128xi32, #tpu.memory_space<vmem>> -> memref<128xi32, #tpu.memory_space<vmem>>
      %dma_wait3A_499 = arith.constant 0 : i32
      %dma_wait3A_500 = arith.constant 0 : i32
      %dma_wait3A_501 = tpu.memref_slice %arg7[%dma_wait3A_499, %dma_wait3A_500] : memref<10240x128xf32, #tpu.memory_space<vmem_shared>> -> memref<10240x128xf32, #tpu.memory_space<vmem_shared>>
      tpu.wait_indirect_dma semaphore(%arg10 : memref<!tpu.dma_semaphore, #tpu.memory_space<semaphore_mem>>) src(%dma_wait3A_495 : memref<128x128xf32, #tpu.memory_space<vmem>>) dst(%dma_wait3A_501 : memref<10240x128xf32, #tpu.memory_space<vmem_shared>>)
      %dma_start3A_502 = arith.constant 0 : i32
      %dma_start3A_503 = arith.constant 0 : i32
      %dma_start3A_504 = arith.constant 0 : i32
      %dma_start3A_505 = arith.constant 0 : i32
      %dma_start3A_506 = arith.constant 0 : i32
      %dma_start3A_507 = tpu.memref_slice %arg6[%dma_start3A_504, %dma_start3A_505, %dma_start3A_506] : memref<2x128x128xf32, #tpu.memory_space<vmem>> -> memref<1x128x128xf32, #tpu.memory_space<vmem>>
      %dma_start3A_508 = tpu.memref_squeeze %dma_start3A_507 : memref<1x128x128xf32, #tpu.memory_space<vmem>> -> memref<128x128xf32, #tpu.memory_space<vmem>>
      %dma_start3A_509 = arith.constant 0 : i32
      %dma_start3A_510 = tpu.memref_slice %arg5[%dma_start3A_502, %dma_start3A_503, %dma_start3A_509] : memref<4x2x128xi32, #tpu.memory_space<vmem>> -> memref<1x1x128xi32, #tpu.memory_space<vmem>>
      %dma_start3A_511 = tpu.memref_squeeze %dma_start3A_510 : memref<1x1x128xi32, #tpu.memory_space<vmem>> -> memref<128xi32, #tpu.memory_space<vmem>>
      %dma_start3A_512 = arith.constant 0 : i32
      %dma_start3A_513 = arith.constant 0 : i32
      %dma_start3A_514 = tpu.memref_slice %arg2[%dma_start3A_512, %dma_start3A_513] : memref<10000x128xf32, #tpu.memory_space<hbm>> -> memref<10000x128xf32, #tpu.memory_space<hbm>>
      tpu.enqueue_indirect_dma source(%dma_start3A_514 : memref<10000x128xf32, #tpu.memory_space<hbm>>) target(%dma_start3A_508 : memref<128x128xf32, #tpu.memory_space<vmem>>) offsets(%dma_start3A_511 : memref<128xi32, #tpu.memory_space<vmem>>) semaphore(%arg8 : memref<!tpu.dma_semaphore, #tpu.memory_space<semaphore_mem>>)
      %add3A_515 = arith.constant 1 : i32
      %add3A_516 = arith.addi %add3A_347, %add3A_515 : i32
      %add3A_517 = arith.constant 2 : i32
      %add3A_518 = arith.addi %add3A_516, %add3A_517 : i32
      %dma_start3A_519 = arith.constant 1 : i32
      %dma_start3A_520 = arith.constant 0 : i32
      %dma_start3A_521 = arith.constant 0 : i32
      %dma_start3A_522 = tpu.memref_slice %arg5[%dma_start3A_519, %dma_start3A_520, %dma_start3A_521] : memref<4x2x128xi32, #tpu.memory_space<vmem>> -> memref<1x2x128xi32, #tpu.memory_space<vmem>>
      %dma_start3A_523 = tpu.memref_squeeze %dma_start3A_522 : memref<1x2x128xi32, #tpu.memory_space<vmem>> -> memref<2x128xi32, #tpu.memory_space<vmem>>
      %dma_start3A_524 = arith.constant 0 : i32
      %dma_start3A_525 = arith.constant 0 : i32
      %dma_start3A_526 = tpu.memref_slice %arg3[%add3A, %add3A_518, %dma_start3A_524, %dma_start3A_525] : memref<32x80x2x128xi32, #tpu.memory_space<hbm>> -> memref<1x1x2x128xi32, #tpu.memory_space<hbm>>
      %dma_start3A_527 = tpu.memref_squeeze %dma_start3A_526 : memref<1x1x2x128xi32, #tpu.memory_space<hbm>> -> memref<2x128xi32, #tpu.memory_space<hbm>>
      %dma_start3A_528 = arith.constant 0 : i32
      %dma_start3A_529 = arith.constant 0 : i32
      %dma_start3A_530 = tpu.memref_slice %arg5[%dma_start3A_519, %dma_start3A_528, %dma_start3A_529] : memref<4x2x128xi32, #tpu.memory_space<vmem>> -> memref<1x2x128xi32, #tpu.memory_space<vmem>>
      %dma_start3A_531 = tpu.memref_squeeze %dma_start3A_530 : memref<1x2x128xi32, #tpu.memory_space<vmem>> -> memref<2x128xi32, #tpu.memory_space<vmem>>
      %dma_start3A_532 = arith.constant 0 : i32
      %dma_start3A_533 = arith.constant 0 : i32
      %dma_start3A_534 = tpu.memref_slice %arg3[%add3A, %add3A_518, %dma_start3A_532, %dma_start3A_533] : memref<32x80x2x128xi32, #tpu.memory_space<hbm>> -> memref<1x1x2x128xi32, #tpu.memory_space<hbm>>
      %dma_start3A_535 = tpu.memref_squeeze %dma_start3A_534 : memref<1x1x2x128xi32, #tpu.memory_space<hbm>> -> memref<2x128xi32, #tpu.memory_space<hbm>>
      tpu.enqueue_dma source(%dma_start3A_535 : memref<2x128xi32, #tpu.memory_space<hbm>>) target(%dma_start3A_531 : memref<2x128xi32, #tpu.memory_space<vmem>>) target_semaphore(%arg13 : memref<!tpu.dma_semaphore, #tpu.memory_space<semaphore_mem>>)
      %dma_wait3A_536 = arith.constant 0 : i32
      %dma_wait3A_537 = arith.constant 0 : i32
      %dma_wait3A_538 = arith.constant 0 : i32
      %dma_wait3A_539 = arith.constant 0 : i32
      %dma_wait3A_540 = arith.constant 0 : i32
      %dma_wait3A_541 = tpu.memref_slice %arg6[%dma_wait3A_538, %dma_wait3A_539, %dma_wait3A_540] : memref<2x128x128xf32, #tpu.memory_space<vmem>> -> memref<1x128x128xf32, #tpu.memory_space<vmem>>
      %dma_wait3A_542 = tpu.memref_squeeze %dma_wait3A_541 : memref<1x128x128xf32, #tpu.memory_space<vmem>> -> memref<128x128xf32, #tpu.memory_space<vmem>>
      %dma_wait3A_543 = arith.constant 0 : i32
      %dma_wait3A_544 = tpu.memref_slice %arg5[%dma_wait3A_536, %dma_wait3A_537, %dma_wait3A_543] : memref<4x2x128xi32, #tpu.memory_space<vmem>> -> memref<1x1x128xi32, #tpu.memory_space<vmem>>
      %dma_wait3A_545 = tpu.memref_squeeze %dma_wait3A_544 : memref<1x1x128xi32, #tpu.memory_space<vmem>> -> memref<128xi32, #tpu.memory_space<vmem>>
      %dma_wait3A_546 = arith.constant 0 : i32
      %dma_wait3A_547 = arith.constant 0 : i32
      %dma_wait3A_548 = tpu.memref_slice %arg2[%dma_wait3A_546, %dma_wait3A_547] : memref<10000x128xf32, #tpu.memory_space<hbm>> -> memref<10000x128xf32, #tpu.memory_space<hbm>>
      tpu.wait_indirect_dma semaphore(%arg8 : memref<!tpu.dma_semaphore, #tpu.memory_space<semaphore_mem>>) src(%dma_wait3A_548 : memref<10000x128xf32, #tpu.memory_space<hbm>>) dst(%dma_wait3A_542 : memref<128x128xf32, #tpu.memory_space<vmem>>)
      %dma_start3A_549 = arith.constant 0 : i32
      %dma_start3A_550 = arith.constant 0 : i32
      %dma_start3A_551 = arith.constant 1 : i32
      %dma_start3A_552 = arith.constant 0 : i32
      %dma_start3A_553 = arith.constant 0 : i32
      %dma_start3A_554 = tpu.memref_slice %arg6[%dma_start3A_549, %dma_start3A_552, %dma_start3A_553] : memref<2x128x128xf32, #tpu.memory_space<vmem>> -> memref<1x128x128xf32, #tpu.memory_space<vmem>>
      %dma_start3A_555 = tpu.memref_squeeze %dma_start3A_554 : memref<1x128x128xf32, #tpu.memory_space<vmem>> -> memref<128x128xf32, #tpu.memory_space<vmem>>
      %dma_start3A_556 = arith.constant 0 : i32
      %dma_start3A_557 = tpu.memref_slice %arg5[%dma_start3A_550, %dma_start3A_551, %dma_start3A_556] : memref<4x2x128xi32, #tpu.memory_space<vmem>> -> memref<1x1x128xi32, #tpu.memory_space<vmem>>
      %dma_start3A_558 = tpu.memref_squeeze %dma_start3A_557 : memref<1x1x128xi32, #tpu.memory_space<vmem>> -> memref<128xi32, #tpu.memory_space<vmem>>
      %dma_start3A_559 = arith.constant 0 : i32
      %dma_start3A_560 = arith.constant 0 : i32
      %dma_start3A_561 = tpu.memref_slice %arg7[%dma_start3A_559, %dma_start3A_560] : memref<10240x128xf32, #tpu.memory_space<vmem_shared>> -> memref<10240x128xf32, #tpu.memory_space<vmem_shared>>
      tpu.enqueue_indirect_dma source(%dma_start3A_555 : memref<128x128xf32, #tpu.memory_space<vmem>>) target(%dma_start3A_561 : memref<10240x128xf32, #tpu.memory_space<vmem_shared>>) offsets(%dma_start3A_558 : memref<128xi32, #tpu.memory_space<vmem>>) semaphore(%arg10 : memref<!tpu.dma_semaphore, #tpu.memory_space<semaphore_mem>>) {add = true}
      %add3A_562 = arith.constant 2 : i32
      %add3A_563 = arith.addi %add3A_347, %add3A_562 : i32
      %add3A_564 = arith.constant 1 : i32
      %add3A_565 = arith.addi %add3A_563, %add3A_564 : i32
      %dma_wait3A_566 = arith.constant 1 : i32
      %dma_wait3A_567 = arith.constant 0 : i32
      %dma_wait3A_568 = arith.constant 0 : i32
      %dma_wait3A_569 = tpu.memref_slice %arg5[%dma_wait3A_566, %dma_wait3A_567, %dma_wait3A_568] : memref<4x2x128xi32, #tpu.memory_space<vmem>> -> memref<1x2x128xi32, #tpu.memory_space<vmem>>
      %dma_wait3A_570 = tpu.memref_squeeze %dma_wait3A_569 : memref<1x2x128xi32, #tpu.memory_space<vmem>> -> memref<2x128xi32, #tpu.memory_space<vmem>>
      %dma_wait3A_571 = arith.constant 0 : i32
      %dma_wait3A_572 = arith.constant 0 : i32
      %dma_wait3A_573 = tpu.memref_slice %arg3[%add3A, %add3A_565, %dma_wait3A_571, %dma_wait3A_572] : memref<32x80x2x128xi32, #tpu.memory_space<hbm>> -> memref<1x1x2x128xi32, #tpu.memory_space<hbm>>
      %dma_wait3A_574 = tpu.memref_squeeze %dma_wait3A_573 : memref<1x1x2x128xi32, #tpu.memory_space<hbm>> -> memref<2x128xi32, #tpu.memory_space<hbm>>
      %dma_wait3A_575 = arith.constant 0 : i32
      %dma_wait3A_576 = arith.constant 0 : i32
      %dma_wait3A_577 = tpu.memref_slice %arg5[%dma_wait3A_566, %dma_wait3A_575, %dma_wait3A_576] : memref<4x2x128xi32, #tpu.memory_space<vmem>> -> memref<1x2x128xi32, #tpu.memory_space<vmem>>
      %dma_wait3A_578 = tpu.memref_squeeze %dma_wait3A_577 : memref<1x2x128xi32, #tpu.memory_space<vmem>> -> memref<2x128xi32, #tpu.memory_space<vmem>>
      %dma_wait3A_579 = arith.constant 0 : i32
      %dma_wait3A_580 = arith.constant 0 : i32
      %dma_wait3A_581 = tpu.memref_slice %arg3[%add3A, %add3A_565, %dma_wait3A_579, %dma_wait3A_580] : memref<32x80x2x128xi32, #tpu.memory_space<hbm>> -> memref<1x1x2x128xi32, #tpu.memory_space<hbm>>
      %dma_wait3A_582 = tpu.memref_squeeze %dma_wait3A_581 : memref<1x1x2x128xi32, #tpu.memory_space<hbm>> -> memref<2x128xi32, #tpu.memory_space<hbm>>
      tpu.wait_dma2 semaphore(%arg13 : memref<!tpu.dma_semaphore, #tpu.memory_space<semaphore_mem>>) src(%dma_wait3A_582 : memref<2x128xi32, #tpu.memory_space<hbm>>) dst(%dma_wait3A_578 : memref<2x128xi32, #tpu.memory_space<vmem>>)
      %dma_wait3A_583 = arith.constant 1 : i32
      %dma_wait3A_584 = arith.constant 3 : i32
      %dma_wait3A_585 = arith.constant 1 : i32
      %dma_wait3A_586 = arith.constant 0 : i32
      %dma_wait3A_587 = arith.constant 0 : i32
      %dma_wait3A_588 = tpu.memref_slice %arg6[%dma_wait3A_583, %dma_wait3A_586, %dma_wait3A_587] : memref<2x128x128xf32, #tpu.memory_space<vmem>> -> memref<1x128x128xf32, #tpu.memory_space<vmem>>
      %dma_wait3A_589 = tpu.memref_squeeze %dma_wait3A_588 : memref<1x128x128xf32, #tpu.memory_space<vmem>> -> memref<128x128xf32, #tpu.memory_space<vmem>>
      %dma_wait3A_590 = arith.constant 0 : i32
      %dma_wait3A_591 = tpu.memref_slice %arg5[%dma_wait3A_584, %dma_wait3A_585, %dma_wait3A_590] : memref<4x2x128xi32, #tpu.memory_space<vmem>> -> memref<1x1x128xi32, #tpu.memory_space<vmem>>
      %dma_wait3A_592 = tpu.memref_squeeze %dma_wait3A_591 : memref<1x1x128xi32, #tpu.memory_space<vmem>> -> memref<128xi32, #tpu.memory_space<vmem>>
      %dma_wait3A_593 = arith.constant 0 : i32
      %dma_wait3A_594 = arith.constant 0 : i32
      %dma_wait3A_595 = tpu.memref_slice %arg7[%dma_wait3A_593, %dma_wait3A_594] : memref<10240x128xf32, #tpu.memory_space<vmem_shared>> -> memref<10240x128xf32, #tpu.memory_space<vmem_shared>>
      tpu.wait_indirect_dma semaphore(%arg11 : memref<!tpu.dma_semaphore, #tpu.memory_space<semaphore_mem>>) src(%dma_wait3A_589 : memref<128x128xf32, #tpu.memory_space<vmem>>) dst(%dma_wait3A_595 : memref<10240x128xf32, #tpu.memory_space<vmem_shared>>)
      %dma_start3A_596 = arith.constant 1 : i32
      %dma_start3A_597 = arith.constant 0 : i32
      %dma_start3A_598 = arith.constant 1 : i32
      %dma_start3A_599 = arith.constant 0 : i32
      %dma_start3A_600 = arith.constant 0 : i32
      %dma_start3A_601 = tpu.memref_slice %arg6[%dma_start3A_598, %dma_start3A_599, %dma_start3A_600] : memref<2x128x128xf32, #tpu.memory_space<vmem>> -> memref<1x128x128xf32, #tpu.memory_space<vmem>>
      %dma_start3A_602 = tpu.memref_squeeze %dma_start3A_601 : memref<1x128x128xf32, #tpu.memory_space<vmem>> -> memref<128x128xf32, #tpu.memory_space<vmem>>
      %dma_start3A_603 = arith.constant 0 : i32
      %dma_start3A_604 = tpu.memref_slice %arg5[%dma_start3A_596, %dma_start3A_597, %dma_start3A_603] : memref<4x2x128xi32, #tpu.memory_space<vmem>> -> memref<1x1x128xi32, #tpu.memory_space<vmem>>
      %dma_start3A_605 = tpu.memref_squeeze %dma_start3A_604 : memref<1x1x128xi32, #tpu.memory_space<vmem>> -> memref<128xi32, #tpu.memory_space<vmem>>
      %dma_start3A_606 = arith.constant 0 : i32
      %dma_start3A_607 = arith.constant 0 : i32
      %dma_start3A_608 = tpu.memref_slice %arg2[%dma_start3A_606, %dma_start3A_607] : memref<10000x128xf32, #tpu.memory_space<hbm>> -> memref<10000x128xf32, #tpu.memory_space<hbm>>
      tpu.enqueue_indirect_dma source(%dma_start3A_608 : memref<10000x128xf32, #tpu.memory_space<hbm>>) target(%dma_start3A_602 : memref<128x128xf32, #tpu.memory_space<vmem>>) offsets(%dma_start3A_605 : memref<128xi32, #tpu.memory_space<vmem>>) semaphore(%arg9 : memref<!tpu.dma_semaphore, #tpu.memory_space<semaphore_mem>>)
      %add3A_609 = arith.constant 2 : i32
      %add3A_610 = arith.addi %add3A_347, %add3A_609 : i32
      %add3A_611 = arith.constant 2 : i32
      %add3A_612 = arith.addi %add3A_610, %add3A_611 : i32
      %dma_start3A_613 = arith.constant 2 : i32
      %dma_start3A_614 = arith.constant 0 : i32
      %dma_start3A_615 = arith.constant 0 : i32
      %dma_start3A_616 = tpu.memref_slice %arg5[%dma_start3A_613, %dma_start3A_614, %dma_start3A_615] : memref<4x2x128xi32, #tpu.memory_space<vmem>> -> memref<1x2x128xi32, #tpu.memory_space<vmem>>
      %dma_start3A_617 = tpu.memref_squeeze %dma_start3A_616 : memref<1x2x128xi32, #tpu.memory_space<vmem>> -> memref<2x128xi32, #tpu.memory_space<vmem>>
      %dma_start3A_618 = arith.constant 0 : i32
      %dma_start3A_619 = arith.constant 0 : i32
      %dma_start3A_620 = tpu.memref_slice %arg3[%add3A, %add3A_612, %dma_start3A_618, %dma_start3A_619] : memref<32x80x2x128xi32, #tpu.memory_space<hbm>> -> memref<1x1x2x128xi32, #tpu.memory_space<hbm>>
      %dma_start3A_621 = tpu.memref_squeeze %dma_start3A_620 : memref<1x1x2x128xi32, #tpu.memory_space<hbm>> -> memref<2x128xi32, #tpu.memory_space<hbm>>
      %dma_start3A_622 = arith.constant 0 : i32
      %dma_start3A_623 = arith.constant 0 : i32
      %dma_start3A_624 = tpu.memref_slice %arg5[%dma_start3A_613, %dma_start3A_622, %dma_start3A_623] : memref<4x2x128xi32, #tpu.memory_space<vmem>> -> memref<1x2x128xi32, #tpu.memory_space<vmem>>
      %dma_start3A_625 = tpu.memref_squeeze %dma_start3A_624 : memref<1x2x128xi32, #tpu.memory_space<vmem>> -> memref<2x128xi32, #tpu.memory_space<vmem>>
      %dma_start3A_626 = arith.constant 0 : i32
      %dma_start3A_627 = arith.constant 0 : i32
      %dma_start3A_628 = tpu.memref_slice %arg3[%add3A, %add3A_612, %dma_start3A_626, %dma_start3A_627] : memref<32x80x2x128xi32, #tpu.memory_space<hbm>> -> memref<1x1x2x128xi32, #tpu.memory_space<hbm>>
      %dma_start3A_629 = tpu.memref_squeeze %dma_start3A_628 : memref<1x1x2x128xi32, #tpu.memory_space<hbm>> -> memref<2x128xi32, #tpu.memory_space<hbm>>
      tpu.enqueue_dma source(%dma_start3A_629 : memref<2x128xi32, #tpu.memory_space<hbm>>) target(%dma_start3A_625 : memref<2x128xi32, #tpu.memory_space<vmem>>) target_semaphore(%arg14 : memref<!tpu.dma_semaphore, #tpu.memory_space<semaphore_mem>>)
      %dma_wait3A_630 = arith.constant 1 : i32
      %dma_wait3A_631 = arith.constant 0 : i32
      %dma_wait3A_632 = arith.constant 1 : i32
      %dma_wait3A_633 = arith.constant 0 : i32
      %dma_wait3A_634 = arith.constant 0 : i32
      %dma_wait3A_635 = tpu.memref_slice %arg6[%dma_wait3A_632, %dma_wait3A_633, %dma_wait3A_634] : memref<2x128x128xf32, #tpu.memory_space<vmem>> -> memref<1x128x128xf32, #tpu.memory_space<vmem>>
      %dma_wait3A_636 = tpu.memref_squeeze %dma_wait3A_635 : memref<1x128x128xf32, #tpu.memory_space<vmem>> -> memref<128x128xf32, #tpu.memory_space<vmem>>
      %dma_wait3A_637 = arith.constant 0 : i32
      %dma_wait3A_638 = tpu.memref_slice %arg5[%dma_wait3A_630, %dma_wait3A_631, %dma_wait3A_637] : memref<4x2x128xi32, #tpu.memory_space<vmem>> -> memref<1x1x128xi32, #tpu.memory_space<vmem>>
      %dma_wait3A_639 = tpu.memref_squeeze %dma_wait3A_638 : memref<1x1x128xi32, #tpu.memory_space<vmem>> -> memref<128xi32, #tpu.memory_space<vmem>>
      %dma_wait3A_640 = arith.constant 0 : i32
      %dma_wait3A_641 = arith.constant 0 : i32
      %dma_wait3A_642 = tpu.memref_slice %arg2[%dma_wait3A_640, %dma_wait3A_641] : memref<10000x128xf32, #tpu.memory_space<hbm>> -> memref<10000x128xf32, #tpu.memory_space<hbm>>
      tpu.wait_indirect_dma semaphore(%arg9 : memref<!tpu.dma_semaphore, #tpu.memory_space<semaphore_mem>>) src(%dma_wait3A_642 : memref<10000x128xf32, #tpu.memory_space<hbm>>) dst(%dma_wait3A_636 : memref<128x128xf32, #tpu.memory_space<vmem>>)
      %dma_start3A_643 = arith.constant 1 : i32
      %dma_start3A_644 = arith.constant 1 : i32
      %dma_start3A_645 = arith.constant 1 : i32
      %dma_start3A_646 = arith.constant 0 : i32
      %dma_start3A_647 = arith.constant 0 : i32
      %dma_start3A_648 = tpu.memref_slice %arg6[%dma_start3A_643, %dma_start3A_646, %dma_start3A_647] : memref<2x128x128xf32, #tpu.memory_space<vmem>> -> memref<1x128x128xf32, #tpu.memory_space<vmem>>
      %dma_start3A_649 = tpu.memref_squeeze %dma_start3A_648 : memref<1x128x128xf32, #tpu.memory_space<vmem>> -> memref<128x128xf32, #tpu.memory_space<vmem>>
      %dma_start3A_650 = arith.constant 0 : i32
      %dma_start3A_651 = tpu.memref_slice %arg5[%dma_start3A_644, %dma_start3A_645, %dma_start3A_650] : memref<4x2x128xi32, #tpu.memory_space<vmem>> -> memref<1x1x128xi32, #tpu.memory_space<vmem>>
      %dma_start3A_652 = tpu.memref_squeeze %dma_start3A_651 : memref<1x1x128xi32, #tpu.memory_space<vmem>> -> memref<128xi32, #tpu.memory_space<vmem>>
      %dma_start3A_653 = arith.constant 0 : i32
      %dma_start3A_654 = arith.constant 0 : i32
      %dma_start3A_655 = tpu.memref_slice %arg7[%dma_start3A_653, %dma_start3A_654] : memref<10240x128xf32, #tpu.memory_space<vmem_shared>> -> memref<10240x128xf32, #tpu.memory_space<vmem_shared>>
      tpu.enqueue_indirect_dma source(%dma_start3A_649 : memref<128x128xf32, #tpu.memory_space<vmem>>) target(%dma_start3A_655 : memref<10240x128xf32, #tpu.memory_space<vmem_shared>>) offsets(%dma_start3A_652 : memref<128xi32, #tpu.memory_space<vmem>>) semaphore(%arg11 : memref<!tpu.dma_semaphore, #tpu.memory_space<semaphore_mem>>) {add = true}
      %add3A_656 = arith.constant 3 : i32
      %add3A_657 = arith.addi %add3A_347, %add3A_656 : i32
      %add3A_658 = arith.constant 1 : i32
      %add3A_659 = arith.addi %add3A_657, %add3A_658 : i32
      %dma_wait3A_660 = arith.constant 2 : i32
      %dma_wait3A_661 = arith.constant 0 : i32
      %dma_wait3A_662 = arith.constant 0 : i32
      %dma_wait3A_663 = tpu.memref_slice %arg5[%dma_wait3A_660, %dma_wait3A_661, %dma_wait3A_662] : memref<4x2x128xi32, #tpu.memory_space<vmem>> -> memref<1x2x128xi32, #tpu.memory_space<vmem>>
      %dma_wait3A_664 = tpu.memref_squeeze %dma_wait3A_663 : memref<1x2x128xi32, #tpu.memory_space<vmem>> -> memref<2x128xi32, #tpu.memory_space<vmem>>
      %dma_wait3A_665 = arith.constant 0 : i32
      %dma_wait3A_666 = arith.constant 0 : i32
      %dma_wait3A_667 = tpu.memref_slice %arg3[%add3A, %add3A_659, %dma_wait3A_665, %dma_wait3A_666] : memref<32x80x2x128xi32, #tpu.memory_space<hbm>> -> memref<1x1x2x128xi32, #tpu.memory_space<hbm>>
      %dma_wait3A_668 = tpu.memref_squeeze %dma_wait3A_667 : memref<1x1x2x128xi32, #tpu.memory_space<hbm>> -> memref<2x128xi32, #tpu.memory_space<hbm>>
      %dma_wait3A_669 = arith.constant 0 : i32
      %dma_wait3A_670 = arith.constant 0 : i32
      %dma_wait3A_671 = tpu.memref_slice %arg5[%dma_wait3A_660, %dma_wait3A_669, %dma_wait3A_670] : memref<4x2x128xi32, #tpu.memory_space<vmem>> -> memref<1x2x128xi32, #tpu.memory_space<vmem>>
      %dma_wait3A_672 = tpu.memref_squeeze %dma_wait3A_671 : memref<1x2x128xi32, #tpu.memory_space<vmem>> -> memref<2x128xi32, #tpu.memory_space<vmem>>
      %dma_wait3A_673 = arith.constant 0 : i32
      %dma_wait3A_674 = arith.constant 0 : i32
      %dma_wait3A_675 = tpu.memref_slice %arg3[%add3A, %add3A_659, %dma_wait3A_673, %dma_wait3A_674] : memref<32x80x2x128xi32, #tpu.memory_space<hbm>> -> memref<1x1x2x128xi32, #tpu.memory_space<hbm>>
      %dma_wait3A_676 = tpu.memref_squeeze %dma_wait3A_675 : memref<1x1x2x128xi32, #tpu.memory_space<hbm>> -> memref<2x128xi32, #tpu.memory_space<hbm>>
      tpu.wait_dma2 semaphore(%arg14 : memref<!tpu.dma_semaphore, #tpu.memory_space<semaphore_mem>>) src(%dma_wait3A_676 : memref<2x128xi32, #tpu.memory_space<hbm>>) dst(%dma_wait3A_672 : memref<2x128xi32, #tpu.memory_space<vmem>>)
      %dma_wait3A_677 = arith.constant 0 : i32
      %dma_wait3A_678 = arith.constant 0 : i32
      %dma_wait3A_679 = arith.constant 1 : i32
      %dma_wait3A_680 = arith.constant 0 : i32
      %dma_wait3A_681 = arith.constant 0 : i32
      %dma_wait3A_682 = tpu.memref_slice %arg6[%dma_wait3A_677, %dma_wait3A_680, %dma_wait3A_681] : memref<2x128x128xf32, #tpu.memory_space<vmem>> -> memref<1x128x128xf32, #tpu.memory_space<vmem>>
      %dma_wait3A_683 = tpu.memref_squeeze %dma_wait3A_682 : memref<1x128x128xf32, #tpu.memory_space<vmem>> -> memref<128x128xf32, #tpu.memory_space<vmem>>
      %dma_wait3A_684 = arith.constant 0 : i32
      %dma_wait3A_685 = tpu.memref_slice %arg5[%dma_wait3A_678, %dma_wait3A_679, %dma_wait3A_684] : memref<4x2x128xi32, #tpu.memory_space<vmem>> -> memref<1x1x128xi32, #tpu.memory_space<vmem>>
      %dma_wait3A_686 = tpu.memref_squeeze %dma_wait3A_685 : memref<1x1x128xi32, #tpu.memory_space<vmem>> -> memref<128xi32, #tpu.memory_space<vmem>>
      %dma_wait3A_687 = arith.constant 0 : i32
      %dma_wait3A_688 = arith.constant 0 : i32
      %dma_wait3A_689 = tpu.memref_slice %arg7[%dma_wait3A_687, %dma_wait3A_688] : memref<10240x128xf32, #tpu.memory_space<vmem_shared>> -> memref<10240x128xf32, #tpu.memory_space<vmem_shared>>
      tpu.wait_indirect_dma semaphore(%arg10 : memref<!tpu.dma_semaphore, #tpu.memory_space<semaphore_mem>>) src(%dma_wait3A_683 : memref<128x128xf32, #tpu.memory_space<vmem>>) dst(%dma_wait3A_689 : memref<10240x128xf32, #tpu.memory_space<vmem_shared>>)
      %dma_start3A_690 = arith.constant 2 : i32
      %dma_start3A_691 = arith.constant 0 : i32
      %dma_start3A_692 = arith.constant 0 : i32
      %dma_start3A_693 = arith.constant 0 : i32
      %dma_start3A_694 = arith.constant 0 : i32
      %dma_start3A_695 = tpu.memref_slice %arg6[%dma_start3A_692, %dma_start3A_693, %dma_start3A_694] : memref<2x128x128xf32, #tpu.memory_space<vmem>> -> memref<1x128x128xf32, #tpu.memory_space<vmem>>
      %dma_start3A_696 = tpu.memref_squeeze %dma_start3A_695 : memref<1x128x128xf32, #tpu.memory_space<vmem>> -> memref<128x128xf32, #tpu.memory_space<vmem>>
      %dma_start3A_697 = arith.constant 0 : i32
      %dma_start3A_698 = tpu.memref_slice %arg5[%dma_start3A_690, %dma_start3A_691, %dma_start3A_697] : memref<4x2x128xi32, #tpu.memory_space<vmem>> -> memref<1x1x128xi32, #tpu.memory_space<vmem>>
      %dma_start3A_699 = tpu.memref_squeeze %dma_start3A_698 : memref<1x1x128xi32, #tpu.memory_space<vmem>> -> memref<128xi32, #tpu.memory_space<vmem>>
      %dma_start3A_700 = arith.constant 0 : i32
      %dma_start3A_701 = arith.constant 0 : i32
      %dma_start3A_702 = tpu.memref_slice %arg2[%dma_start3A_700, %dma_start3A_701] : memref<10000x128xf32, #tpu.memory_space<hbm>> -> memref<10000x128xf32, #tpu.memory_space<hbm>>
      tpu.enqueue_indirect_dma source(%dma_start3A_702 : memref<10000x128xf32, #tpu.memory_space<hbm>>) target(%dma_start3A_696 : memref<128x128xf32, #tpu.memory_space<vmem>>) offsets(%dma_start3A_699 : memref<128xi32, #tpu.memory_space<vmem>>) semaphore(%arg8 : memref<!tpu.dma_semaphore, #tpu.memory_space<semaphore_mem>>)
      %add3A_703 = arith.constant 3 : i32
      %add3A_704 = arith.addi %add3A_347, %add3A_703 : i32
      %add3A_705 = arith.constant 2 : i32
      %add3A_706 = arith.addi %add3A_704, %add3A_705 : i32
      %dma_start3A_707 = arith.constant 3 : i32
      %dma_start3A_708 = arith.constant 0 : i32
      %dma_start3A_709 = arith.constant 0 : i32
      %dma_start3A_710 = tpu.memref_slice %arg5[%dma_start3A_707, %dma_start3A_708, %dma_start3A_709] : memref<4x2x128xi32, #tpu.memory_space<vmem>> -> memref<1x2x128xi32, #tpu.memory_space<vmem>>
      %dma_start3A_711 = tpu.memref_squeeze %dma_start3A_710 : memref<1x2x128xi32, #tpu.memory_space<vmem>> -> memref<2x128xi32, #tpu.memory_space<vmem>>
      %dma_start3A_712 = arith.constant 0 : i32
      %dma_start3A_713 = arith.constant 0 : i32
      %dma_start3A_714 = tpu.memref_slice %arg3[%add3A, %add3A_706, %dma_start3A_712, %dma_start3A_713] : memref<32x80x2x128xi32, #tpu.memory_space<hbm>> -> memref<1x1x2x128xi32, #tpu.memory_space<hbm>>
      %dma_start3A_715 = tpu.memref_squeeze %dma_start3A_714 : memref<1x1x2x128xi32, #tpu.memory_space<hbm>> -> memref<2x128xi32, #tpu.memory_space<hbm>>
      %dma_start3A_716 = arith.constant 0 : i32
      %dma_start3A_717 = arith.constant 0 : i32
      %dma_start3A_718 = tpu.memref_slice %arg5[%dma_start3A_707, %dma_start3A_716, %dma_start3A_717] : memref<4x2x128xi32, #tpu.memory_space<vmem>> -> memref<1x2x128xi32, #tpu.memory_space<vmem>>
      %dma_start3A_719 = tpu.memref_squeeze %dma_start3A_718 : memref<1x2x128xi32, #tpu.memory_space<vmem>> -> memref<2x128xi32, #tpu.memory_space<vmem>>
      %dma_start3A_720 = arith.constant 0 : i32
      %dma_start3A_721 = arith.constant 0 : i32
      %dma_start3A_722 = tpu.memref_slice %arg3[%add3A, %add3A_706, %dma_start3A_720, %dma_start3A_721] : memref<32x80x2x128xi32, #tpu.memory_space<hbm>> -> memref<1x1x2x128xi32, #tpu.memory_space<hbm>>
      %dma_start3A_723 = tpu.memref_squeeze %dma_start3A_722 : memref<1x1x2x128xi32, #tpu.memory_space<hbm>> -> memref<2x128xi32, #tpu.memory_space<hbm>>
      tpu.enqueue_dma source(%dma_start3A_723 : memref<2x128xi32, #tpu.memory_space<hbm>>) target(%dma_start3A_719 : memref<2x128xi32, #tpu.memory_space<vmem>>) target_semaphore(%arg15 : memref<!tpu.dma_semaphore, #tpu.memory_space<semaphore_mem>>)
    }
    %scan3A_219 = arith.constant 19 : i32
    %dma_wait3A_220 = arith.constant 2 : i32
    %dma_wait3A_221 = arith.constant 0 : i32
    %dma_wait3A_222 = arith.constant 0 : i32
    %dma_wait3A_223 = arith.constant 0 : i32
    %dma_wait3A_224 = arith.constant 0 : i32
    %dma_wait3A_225 = tpu.memref_slice %arg6[%dma_wait3A_222, %dma_wait3A_223, %dma_wait3A_224] : memref<2x128x128xf32, #tpu.memory_space<vmem>> -> memref<1x128x128xf32, #tpu.memory_space<vmem>>
    %dma_wait3A_226 = tpu.memref_squeeze %dma_wait3A_225 : memref<1x128x128xf32, #tpu.memory_space<vmem>> -> memref<128x128xf32, #tpu.memory_space<vmem>>
    %dma_wait3A_227 = arith.constant 0 : i32
    %dma_wait3A_228 = tpu.memref_slice %arg5[%dma_wait3A_220, %dma_wait3A_221, %dma_wait3A_227] : memref<4x2x128xi32, #tpu.memory_space<vmem>> -> memref<1x1x128xi32, #tpu.memory_space<vmem>>
    %dma_wait3A_229 = tpu.memref_squeeze %dma_wait3A_228 : memref<1x1x128xi32, #tpu.memory_space<vmem>> -> memref<128xi32, #tpu.memory_space<vmem>>
    %dma_wait3A_230 = arith.constant 0 : i32
    %dma_wait3A_231 = arith.constant 0 : i32
    %dma_wait3A_232 = tpu.memref_slice %arg2[%dma_wait3A_230, %dma_wait3A_231] : memref<10000x128xf32, #tpu.memory_space<hbm>> -> memref<10000x128xf32, #tpu.memory_space<hbm>>
    tpu.wait_indirect_dma semaphore(%arg8 : memref<!tpu.dma_semaphore, #tpu.memory_space<semaphore_mem>>) src(%dma_wait3A_232 : memref<10000x128xf32, #tpu.memory_space<hbm>>) dst(%dma_wait3A_226 : memref<128x128xf32, #tpu.memory_space<vmem>>)
    %dma_start3A_233 = arith.constant 0 : i32
    %dma_start3A_234 = arith.constant 2 : i32
    %dma_start3A_235 = arith.constant 1 : i32
    %dma_start3A_236 = arith.constant 0 : i32
    %dma_start3A_237 = arith.constant 0 : i32
    %dma_start3A_238 = tpu.memref_slice %arg6[%dma_start3A_233, %dma_start3A_236, %dma_start3A_237] : memref<2x128x128xf32, #tpu.memory_space<vmem>> -> memref<1x128x128xf32, #tpu.memory_space<vmem>>
    %dma_start3A_239 = tpu.memref_squeeze %dma_start3A_238 : memref<1x128x128xf32, #tpu.memory_space<vmem>> -> memref<128x128xf32, #tpu.memory_space<vmem>>
    %dma_start3A_240 = arith.constant 0 : i32
    %dma_start3A_241 = tpu.memref_slice %arg5[%dma_start3A_234, %dma_start3A_235, %dma_start3A_240] : memref<4x2x128xi32, #tpu.memory_space<vmem>> -> memref<1x1x128xi32, #tpu.memory_space<vmem>>
    %dma_start3A_242 = tpu.memref_squeeze %dma_start3A_241 : memref<1x1x128xi32, #tpu.memory_space<vmem>> -> memref<128xi32, #tpu.memory_space<vmem>>
    %dma_start3A_243 = arith.constant 0 : i32
    %dma_start3A_244 = arith.constant 0 : i32
    %dma_start3A_245 = tpu.memref_slice %arg7[%dma_start3A_243, %dma_start3A_244] : memref<10240x128xf32, #tpu.memory_space<vmem_shared>> -> memref<10240x128xf32, #tpu.memory_space<vmem_shared>>
    tpu.enqueue_indirect_dma source(%dma_start3A_239 : memref<128x128xf32, #tpu.memory_space<vmem>>) target(%dma_start3A_245 : memref<10240x128xf32, #tpu.memory_space<vmem_shared>>) offsets(%dma_start3A_242 : memref<128xi32, #tpu.memory_space<vmem>>) semaphore(%arg10 : memref<!tpu.dma_semaphore, #tpu.memory_space<semaphore_mem>>) {add = true}
    %dma_wait3A_246 = arith.constant 79 : i32
    %dma_wait3A_247 = arith.constant 3 : i32
    %dma_wait3A_248 = arith.constant 0 : i32
    %dma_wait3A_249 = arith.constant 0 : i32
    %dma_wait3A_250 = tpu.memref_slice %arg5[%dma_wait3A_247, %dma_wait3A_248, %dma_wait3A_249] : memref<4x2x128xi32, #tpu.memory_space<vmem>> -> memref<1x2x128xi32, #tpu.memory_space<vmem>>
    %dma_wait3A_251 = tpu.memref_squeeze %dma_wait3A_250 : memref<1x2x128xi32, #tpu.memory_space<vmem>> -> memref<2x128xi32, #tpu.memory_space<vmem>>
    %dma_wait3A_252 = arith.constant 0 : i32
    %dma_wait3A_253 = arith.constant 0 : i32
    %dma_wait3A_254 = tpu.memref_slice %arg3[%add3A, %dma_wait3A_246, %dma_wait3A_252, %dma_wait3A_253] : memref<32x80x2x128xi32, #tpu.memory_space<hbm>> -> memref<1x1x2x128xi32, #tpu.memory_space<hbm>>
    %dma_wait3A_255 = tpu.memref_squeeze %dma_wait3A_254 : memref<1x1x2x128xi32, #tpu.memory_space<hbm>> -> memref<2x128xi32, #tpu.memory_space<hbm>>
    %dma_wait3A_256 = arith.constant 0 : i32
    %dma_wait3A_257 = arith.constant 0 : i32
    %dma_wait3A_258 = tpu.memref_slice %arg5[%dma_wait3A_247, %dma_wait3A_256, %dma_wait3A_257] : memref<4x2x128xi32, #tpu.memory_space<vmem>> -> memref<1x2x128xi32, #tpu.memory_space<vmem>>
    %dma_wait3A_259 = tpu.memref_squeeze %dma_wait3A_258 : memref<1x2x128xi32, #tpu.memory_space<vmem>> -> memref<2x128xi32, #tpu.memory_space<vmem>>
    %dma_wait3A_260 = arith.constant 0 : i32
    %dma_wait3A_261 = arith.constant 0 : i32
    %dma_wait3A_262 = tpu.memref_slice %arg3[%add3A, %dma_wait3A_246, %dma_wait3A_260, %dma_wait3A_261] : memref<32x80x2x128xi32, #tpu.memory_space<hbm>> -> memref<1x1x2x128xi32, #tpu.memory_space<hbm>>
    %dma_wait3A_263 = tpu.memref_squeeze %dma_wait3A_262 : memref<1x1x2x128xi32, #tpu.memory_space<hbm>> -> memref<2x128xi32, #tpu.memory_space<hbm>>
    tpu.wait_dma2 semaphore(%arg15 : memref<!tpu.dma_semaphore, #tpu.memory_space<semaphore_mem>>) src(%dma_wait3A_263 : memref<2x128xi32, #tpu.memory_space<hbm>>) dst(%dma_wait3A_259 : memref<2x128xi32, #tpu.memory_space<vmem>>)
    %dma_wait3A_264 = arith.constant 1 : i32
    %dma_wait3A_265 = arith.constant 1 : i32
    %dma_wait3A_266 = arith.constant 1 : i32
    %dma_wait3A_267 = arith.constant 0 : i32
    %dma_wait3A_268 = arith.constant 0 : i32
    %dma_wait3A_269 = tpu.memref_slice %arg6[%dma_wait3A_264, %dma_wait3A_267, %dma_wait3A_268] : memref<2x128x128xf32, #tpu.memory_space<vmem>> -> memref<1x128x128xf32, #tpu.memory_space<vmem>>
    %dma_wait3A_270 = tpu.memref_squeeze %dma_wait3A_269 : memref<1x128x128xf32, #tpu.memory_space<vmem>> -> memref<128x128xf32, #tpu.memory_space<vmem>>
    %dma_wait3A_271 = arith.constant 0 : i32
    %dma_wait3A_272 = tpu.memref_slice %arg5[%dma_wait3A_265, %dma_wait3A_266, %dma_wait3A_271] : memref<4x2x128xi32, #tpu.memory_space<vmem>> -> memref<1x1x128xi32, #tpu.memory_space<vmem>>
    %dma_wait3A_273 = tpu.memref_squeeze %dma_wait3A_272 : memref<1x1x128xi32, #tpu.memory_space<vmem>> -> memref<128xi32, #tpu.memory_space<vmem>>
    %dma_wait3A_274 = arith.constant 0 : i32
    %dma_wait3A_275 = arith.constant 0 : i32
    %dma_wait3A_276 = tpu.memref_slice %arg7[%dma_wait3A_274, %dma_wait3A_275] : memref<10240x128xf32, #tpu.memory_space<vmem_shared>> -> memref<10240x128xf32, #tpu.memory_space<vmem_shared>>
    tpu.wait_indirect_dma semaphore(%arg11 : memref<!tpu.dma_semaphore, #tpu.memory_space<semaphore_mem>>) src(%dma_wait3A_270 : memref<128x128xf32, #tpu.memory_space<vmem>>) dst(%dma_wait3A_276 : memref<10240x128xf32, #tpu.memory_space<vmem_shared>>)
    %dma_start3A_277 = arith.constant 3 : i32
    %dma_start3A_278 = arith.constant 0 : i32
    %dma_start3A_279 = arith.constant 1 : i32
    %dma_start3A_280 = arith.constant 0 : i32
    %dma_start3A_281 = arith.constant 0 : i32
    %dma_start3A_282 = tpu.memref_slice %arg6[%dma_start3A_279, %dma_start3A_280, %dma_start3A_281] : memref<2x128x128xf32, #tpu.memory_space<vmem>> -> memref<1x128x128xf32, #tpu.memory_space<vmem>>
    %dma_start3A_283 = tpu.memref_squeeze %dma_start3A_282 : memref<1x128x128xf32, #tpu.memory_space<vmem>> -> memref<128x128xf32, #tpu.memory_space<vmem>>
    %dma_start3A_284 = arith.constant 0 : i32
    %dma_start3A_285 = tpu.memref_slice %arg5[%dma_start3A_277, %dma_start3A_278, %dma_start3A_284] : memref<4x2x128xi32, #tpu.memory_space<vmem>> -> memref<1x1x128xi32, #tpu.memory_space<vmem>>
    %dma_start3A_286 = tpu.memref_squeeze %dma_start3A_285 : memref<1x1x128xi32, #tpu.memory_space<vmem>> -> memref<128xi32, #tpu.memory_space<vmem>>
    %dma_start3A_287 = arith.constant 0 : i32
    %dma_start3A_288 = arith.constant 0 : i32
    %dma_start3A_289 = tpu.memref_slice %arg2[%dma_start3A_287, %dma_start3A_288] : memref<10000x128xf32, #tpu.memory_space<hbm>> -> memref<10000x128xf32, #tpu.memory_space<hbm>>
    tpu.enqueue_indirect_dma source(%dma_start3A_289 : memref<10000x128xf32, #tpu.memory_space<hbm>>) target(%dma_start3A_283 : memref<128x128xf32, #tpu.memory_space<vmem>>) offsets(%dma_start3A_286 : memref<128xi32, #tpu.memory_space<vmem>>) semaphore(%arg9 : memref<!tpu.dma_semaphore, #tpu.memory_space<semaphore_mem>>)
    %dma_wait3A_290 = arith.constant 3 : i32
    %dma_wait3A_291 = arith.constant 0 : i32
    %dma_wait3A_292 = arith.constant 1 : i32
    %dma_wait3A_293 = arith.constant 0 : i32
    %dma_wait3A_294 = arith.constant 0 : i32
    %dma_wait3A_295 = tpu.memref_slice %arg6[%dma_wait3A_292, %dma_wait3A_293, %dma_wait3A_294] : memref<2x128x128xf32, #tpu.memory_space<vmem>> -> memref<1x128x128xf32, #tpu.memory_space<vmem>>
    %dma_wait3A_296 = tpu.memref_squeeze %dma_wait3A_295 : memref<1x128x128xf32, #tpu.memory_space<vmem>> -> memref<128x128xf32, #tpu.memory_space<vmem>>
    %dma_wait3A_297 = arith.constant 0 : i32
    %dma_wait3A_298 = tpu.memref_slice %arg5[%dma_wait3A_290, %dma_wait3A_291, %dma_wait3A_297] : memref<4x2x128xi32, #tpu.memory_space<vmem>> -> memref<1x1x128xi32, #tpu.memory_space<vmem>>
    %dma_wait3A_299 = tpu.memref_squeeze %dma_wait3A_298 : memref<1x1x128xi32, #tpu.memory_space<vmem>> -> memref<128xi32, #tpu.memory_space<vmem>>
    %dma_wait3A_300 = arith.constant 0 : i32
    %dma_wait3A_301 = arith.constant 0 : i32
    %dma_wait3A_302 = tpu.memref_slice %arg2[%dma_wait3A_300, %dma_wait3A_301] : memref<10000x128xf32, #tpu.memory_space<hbm>> -> memref<10000x128xf32, #tpu.memory_space<hbm>>
    tpu.wait_indirect_dma semaphore(%arg9 : memref<!tpu.dma_semaphore, #tpu.memory_space<semaphore_mem>>) src(%dma_wait3A_302 : memref<10000x128xf32, #tpu.memory_space<hbm>>) dst(%dma_wait3A_296 : memref<128x128xf32, #tpu.memory_space<vmem>>)
    %dma_start3A_303 = arith.constant 1 : i32
    %dma_start3A_304 = arith.constant 3 : i32
    %dma_start3A_305 = arith.constant 1 : i32
    %dma_start3A_306 = arith.constant 0 : i32
    %dma_start3A_307 = arith.constant 0 : i32
    %dma_start3A_308 = tpu.memref_slice %arg6[%dma_start3A_303, %dma_start3A_306, %dma_start3A_307] : memref<2x128x128xf32, #tpu.memory_space<vmem>> -> memref<1x128x128xf32, #tpu.memory_space<vmem>>
    %dma_start3A_309 = tpu.memref_squeeze %dma_start3A_308 : memref<1x128x128xf32, #tpu.memory_space<vmem>> -> memref<128x128xf32, #tpu.memory_space<vmem>>
    %dma_start3A_310 = arith.constant 0 : i32
    %dma_start3A_311 = tpu.memref_slice %arg5[%dma_start3A_304, %dma_start3A_305, %dma_start3A_310] : memref<4x2x128xi32, #tpu.memory_space<vmem>> -> memref<1x1x128xi32, #tpu.memory_space<vmem>>
    %dma_start3A_312 = tpu.memref_squeeze %dma_start3A_311 : memref<1x1x128xi32, #tpu.memory_space<vmem>> -> memref<128xi32, #tpu.memory_space<vmem>>
    %dma_start3A_313 = arith.constant 0 : i32
    %dma_start3A_314 = arith.constant 0 : i32
    %dma_start3A_315 = tpu.memref_slice %arg7[%dma_start3A_313, %dma_start3A_314] : memref<10240x128xf32, #tpu.memory_space<vmem_shared>> -> memref<10240x128xf32, #tpu.memory_space<vmem_shared>>
    tpu.enqueue_indirect_dma source(%dma_start3A_309 : memref<128x128xf32, #tpu.memory_space<vmem>>) target(%dma_start3A_315 : memref<10240x128xf32, #tpu.memory_space<vmem_shared>>) offsets(%dma_start3A_312 : memref<128xi32, #tpu.memory_space<vmem>>) semaphore(%arg11 : memref<!tpu.dma_semaphore, #tpu.memory_space<semaphore_mem>>) {add = true}
    %dma_wait3A_316 = arith.constant 0 : i32
    %dma_wait3A_317 = arith.constant 2 : i32
    %dma_wait3A_318 = arith.constant 1 : i32
    %dma_wait3A_319 = arith.constant 0 : i32
    %dma_wait3A_320 = arith.constant 0 : i32
    %dma_wait3A_321 = tpu.memref_slice %arg6[%dma_wait3A_316, %dma_wait3A_319, %dma_wait3A_320] : memref<2x128x128xf32, #tpu.memory_space<vmem>> -> memref<1x128x128xf32, #tpu.memory_space<vmem>>
    %dma_wait3A_322 = tpu.memref_squeeze %dma_wait3A_321 : memref<1x128x128xf32, #tpu.memory_space<vmem>> -> memref<128x128xf32, #tpu.memory_space<vmem>>
    %dma_wait3A_323 = arith.constant 0 : i32
    %dma_wait3A_324 = tpu.memref_slice %arg5[%dma_wait3A_317, %dma_wait3A_318, %dma_wait3A_323] : memref<4x2x128xi32, #tpu.memory_space<vmem>> -> memref<1x1x128xi32, #tpu.memory_space<vmem>>
    %dma_wait3A_325 = tpu.memref_squeeze %dma_wait3A_324 : memref<1x1x128xi32, #tpu.memory_space<vmem>> -> memref<128xi32, #tpu.memory_space<vmem>>
    %dma_wait3A_326 = arith.constant 0 : i32
    %dma_wait3A_327 = arith.constant 0 : i32
    %dma_wait3A_328 = tpu.memref_slice %arg7[%dma_wait3A_326, %dma_wait3A_327] : memref<10240x128xf32, #tpu.memory_space<vmem_shared>> -> memref<10240x128xf32, #tpu.memory_space<vmem_shared>>
    tpu.wait_indirect_dma semaphore(%arg10 : memref<!tpu.dma_semaphore, #tpu.memory_space<semaphore_mem>>) src(%dma_wait3A_322 : memref<128x128xf32, #tpu.memory_space<vmem>>) dst(%dma_wait3A_328 : memref<10240x128xf32, #tpu.memory_space<vmem_shared>>)
    %dma_wait3A_329 = arith.constant 1 : i32
    %dma_wait3A_330 = arith.constant 3 : i32
    %dma_wait3A_331 = arith.constant 1 : i32
    %dma_wait3A_332 = arith.constant 0 : i32
    %dma_wait3A_333 = arith.constant 0 : i32
    %dma_wait3A_334 = tpu.memref_slice %arg6[%dma_wait3A_329, %dma_wait3A_332, %dma_wait3A_333] : memref<2x128x128xf32, #tpu.memory_space<vmem>> -> memref<1x128x128xf32, #tpu.memory_space<vmem>>
    %dma_wait3A_335 = tpu.memref_squeeze %dma_wait3A_334 : memref<1x128x128xf32, #tpu.memory_space<vmem>> -> memref<128x128xf32, #tpu.memory_space<vmem>>
    %dma_wait3A_336 = arith.constant 0 : i32
    %dma_wait3A_337 = tpu.memref_slice %arg5[%dma_wait3A_330, %dma_wait3A_331, %dma_wait3A_336] : memref<4x2x128xi32, #tpu.memory_space<vmem>> -> memref<1x1x128xi32, #tpu.memory_space<vmem>>
    %dma_wait3A_338 = tpu.memref_squeeze %dma_wait3A_337 : memref<1x1x128xi32, #tpu.memory_space<vmem>> -> memref<128xi32, #tpu.memory_space<vmem>>
    %dma_wait3A_339 = arith.constant 0 : i32
    %dma_wait3A_340 = arith.constant 0 : i32
    %dma_wait3A_341 = tpu.memref_slice %arg7[%dma_wait3A_339, %dma_wait3A_340] : memref<10240x128xf32, #tpu.memory_space<vmem_shared>> -> memref<10240x128xf32, #tpu.memory_space<vmem_shared>>
    tpu.wait_indirect_dma semaphore(%arg11 : memref<!tpu.dma_semaphore, #tpu.memory_space<semaphore_mem>>) src(%dma_wait3A_335 : memref<128x128xf32, #tpu.memory_space<vmem>>) dst(%dma_wait3A_341 : memref<10240x128xf32, #tpu.memory_space<vmem_shared>>)
    %barrier3A_342 = arith.constant 0 : index
    tpu.barrier barrier_id(%barrier3A_342)
    "tpu.region"() ({
      %run_scoped3A_343 = tpu.sem_alloc : memref<!tpu.dma_semaphore, #tpu.memory_space<semaphore_mem>>
      %dma_start3A_344 = arith.constant 0 : i32
      %dma_start3A_345 = tpu.memref_slice %arg4[%arg0, %mul3A_6, %dma_start3A_344] : memref<2x10240x128xf32, #tpu.memory_space<hbm>> -> memref<1x640x128xf32, #tpu.memory_space<hbm>>
      %dma_start3A_346 = tpu.memref_squeeze %dma_start3A_345 : memref<1x640x128xf32, #tpu.memory_space<hbm>> -> memref<640x128xf32, #tpu.memory_space<hbm>>
      %dma_start3A_347 = arith.constant 0 : i32
      %dma_start3A_348 = tpu.memref_slice %arg7[%mul3A_6, %dma_start3A_347] : memref<10240x128xf32, #tpu.memory_space<vmem_shared>> -> memref<640x128xf32, #tpu.memory_space<vmem_shared>>
      tpu.enqueue_dma source(%dma_start3A_348 : memref<640x128xf32, #tpu.memory_space<vmem_shared>>) target(%dma_start3A_346 : memref<640x128xf32, #tpu.memory_space<hbm>>) target_semaphore(%run_scoped3A_343 : memref<!tpu.dma_semaphore, #tpu.memory_space<semaphore_mem>>)
      %dma_wait3A_349 = arith.constant 0 : i32
      %dma_wait3A_350 = tpu.memref_slice %arg4[%arg0, %mul3A_6, %dma_wait3A_349] : memref<2x10240x128xf32, #tpu.memory_space<hbm>> -> memref<1x640x128xf32, #tpu.memory_space<hbm>>
      %dma_wait3A_351 = tpu.memref_squeeze %dma_wait3A_350 : memref<1x640x128xf32, #tpu.memory_space<hbm>> -> memref<640x128xf32, #tpu.memory_space<hbm>>
      %dma_wait3A_352 = arith.constant 0 : i32
      %dma_wait3A_353 = tpu.memref_slice %arg7[%mul3A_6, %dma_wait3A_352] : memref<10240x128xf32, #tpu.memory_space<vmem_shared>> -> memref<640x128xf32, #tpu.memory_space<vmem_shared>>
      tpu.wait_dma2 semaphore(%run_scoped3A_343 : memref<!tpu.dma_semaphore, #tpu.memory_space<semaphore_mem>>) src(%dma_wait3A_353 : memref<640x128xf32, #tpu.memory_space<vmem_shared>>) dst(%dma_wait3A_351 : memref<640x128xf32, #tpu.memory_space<hbm>>)
      tpu.yield
    }) : () -> ()
    return
  }
}

module attributes {stable_mosaic.version = 14 : i64} {
  func.func @_matmul_bias_kernel(%arg0: i32, %arg1: memref<1000x128xf32, #tpu.memory_space<vmem>>, %arg2: memref<128x128xf32, #tpu.memory_space<vmem>>, %arg3: memref<1x128xf32, #tpu.memory_space<vmem>>, %arg4: memref<1000x128xf32, #tpu.memory_space<vmem>>) attributes {dimension_semantics = [#tpu.dimension_semantics<arbitrary>], iteration_bounds = array<i64: 10>, scalar_prefetch = 0 : i64, scratch_operands = 0 : i64, tpu.core_type = #tpu.core_type<tc>, window_params = [{transform_indices = @transform_0, window_bounds = array<i64: 1000, 128>}, {pipeline_mode = #tpu.pipeline_mode<synchronous>, transform_indices = @transform_1, window_bounds = array<i64: 128, 128>}, {pipeline_mode = #tpu.pipeline_mode<synchronous>, transform_indices = @transform_2, window_bounds = array<i64: 1, 128>}, {transform_indices = @transform_3, window_bounds = array<i64: 1000, 128>}]} {
    %get3A = arith.constant 0 : index
    %get3A_0 = arith.constant 0 : index
    %get3A_1 = vector.load %arg1[%get3A, %get3A_0] : memref<1000x128xf32, #tpu.memory_space<vmem>>, vector<1000x128xf32>
    %get3A_2 = arith.constant 0 : index
    %get3A_3 = arith.constant 0 : index
    %get3A_4 = vector.load %arg2[%get3A_2, %get3A_3] : memref<128x128xf32, #tpu.memory_space<vmem>>, vector<128x128xf32>
    %dot_general3A = arith.constant dense<0.000000e+00> : vector<1000x128xf32>
    %dot_general3A_5 = tpu.matmul %get3A_1, %get3A_4, %dot_general3A {dimension_numbers = #tpu.dot_dimension_numbers<[1], [0], [0], [1], [0, 0, 1, 1], [], []>, transpose_lhs_hint = false} : vector<1000x128xf32>, vector<128x128xf32>, vector<1000x128xf32> -> vector<1000x128xf32>
    %get3A_6 = arith.constant 0 : index
    %get3A_7 = arith.constant 0 : index
    %get3A_8 = vector.load %arg3[%get3A_6, %get3A_7] : memref<1x128xf32, #tpu.memory_space<vmem>>, vector<1x128xf32>
    %add3A = vector.broadcast %get3A_8 : vector<1x128xf32> to vector<1000x128xf32>
    %add3A_9 = arith.addf %dot_general3A_5, %add3A : vector<1000x128xf32>
    %swap3A = arith.constant 0 : index
    %swap3A_10 = arith.constant 0 : index
    %swap3A_11 = vector.load %arg4[%swap3A, %swap3A_10] : memref<1000x128xf32, #tpu.memory_space<vmem>>, vector<1000x128xf32>
    tpu.vector_store %arg4[%swap3A, %swap3A_10], %add3A_9 {strides = array<i32>} : memref<1000x128xf32, #tpu.memory_space<vmem>>, vector<1000x128xf32>,
    return
  }
  func.func @transform_0(%arg0: i32) -> (i32, i32) {
    %c0_i32 = arith.constant 0 : i32
    %c0_i32_0 = arith.constant 0 : i32
    return %arg0, %c0_i32 : i32, i32
  }
  func.func @transform_1(%arg0: i32) -> (i32, i32) {
    %c0_i32 = arith.constant 0 : i32
    %c0_i32_0 = arith.constant 0 : i32
    %c0_i32_1 = arith.constant 0 : i32
    return %c0_i32, %c0_i32_0 : i32, i32
  }
  func.func @transform_2(%arg0: i32) -> (i32, i32) {
    %c0_i32 = arith.constant 0 : i32
    %c0_i32_0 = arith.constant 0 : i32
    %c0_i32_1 = arith.constant 0 : i32
    return %c0_i32, %c0_i32_0 : i32, i32
  }
  func.func @transform_3(%arg0: i32) -> (i32, i32) {
    %c0_i32 = arith.constant 0 : i32
    %c0_i32_0 = arith.constant 0 : i32
    return %arg0, %c0_i32 : i32, i32
  }
}

module attributes {stable_mosaic.version = 14 : i64} {
  func.func @_mlp_kernel(%arg0: i32, %arg1: memref<1000x128xf32, #tpu.memory_space<vmem>>, %arg2: memref<2x1000x128xf32, #tpu.memory_space<vmem>>, %arg3: memref<128x128xf32, #tpu.memory_space<vmem>>, %arg4: memref<1x128xf32, #tpu.memory_space<vmem>>, %arg5: memref<128x128xf32, #tpu.memory_space<vmem>>, %arg6: memref<1x128xf32, #tpu.memory_space<vmem>>, %arg7: memref<1000x128xf32, #tpu.memory_space<vmem>>) attributes {dimension_semantics = [#tpu.dimension_semantics<arbitrary>], iteration_bounds = array<i64: 10>, scalar_prefetch = 0 : i64, scratch_operands = 0 : i64, tpu.core_type = #tpu.core_type<tc>, window_params = [{transform_indices = @transform_0, window_bounds = array<i64: 1000, 128>}, {transform_indices = @transform_1, window_bounds = array<i64: 2, 1000, 128>}, {pipeline_mode = #tpu.pipeline_mode<synchronous>, transform_indices = @transform_2, window_bounds = array<i64: 128, 128>}, {pipeline_mode = #tpu.pipeline_mode<synchronous>, transform_indices = @transform_3, window_bounds = array<i64: 1, 128>}, {pipeline_mode = #tpu.pipeline_mode<synchronous>, transform_indices = @transform_4, window_bounds = array<i64: 128, 128>}, {pipeline_mode = #tpu.pipeline_mode<synchronous>, transform_indices = @transform_5, window_bounds = array<i64: 1, 128>}, {transform_indices = @transform_6, window_bounds = array<i64: 1000, 128>}]} {
    %get3A = arith.constant 0 : index
    %get3A_0 = arith.constant 0 : index
    %get3A_1 = vector.load %arg1[%get3A, %get3A_0] : memref<1000x128xf32, #tpu.memory_space<vmem>>, vector<1000x128xf32>
    %get3A_2 = arith.constant 0 : index
    %get3A_3 = arith.constant 0 : index
    %get3A_4 = arith.constant 0 : index
    %get3A_5 = vector.load %arg2[%get3A_2, %get3A_3, %get3A_4] : memref<2x1000x128xf32, #tpu.memory_space<vmem>>, vector<1x1000x128xf32>
    %get3A_6 = vector.shape_cast %get3A_5 : vector<1x1000x128xf32> to vector<1000x128xf32>
    %add3A = arith.addf %get3A_1, %get3A_6 : vector<1000x128xf32>
    %get3A_7 = arith.constant 1 : index
    %get3A_8 = arith.constant 0 : index
    %get3A_9 = arith.constant 0 : index
    %get3A_10 = vector.load %arg2[%get3A_7, %get3A_8, %get3A_9] : memref<2x1000x128xf32, #tpu.memory_space<vmem>>, vector<1x1000x128xf32>
    %get3A_11 = vector.shape_cast %get3A_10 : vector<1x1000x128xf32> to vector<1000x128xf32>
    %add3A_12 = arith.addf %add3A, %get3A_11 : vector<1000x128xf32>
    %get3A_13 = arith.constant 0 : index
    %get3A_14 = arith.constant 0 : index
    %get3A_15 = vector.load %arg3[%get3A_13, %get3A_14] : memref<128x128xf32, #tpu.memory_space<vmem>>, vector<128x128xf32>
    %dot_general3A = arith.constant dense<0.000000e+00> : vector<1000x128xf32>
    %dot_general3A_16 = tpu.matmul %add3A_12, %get3A_15, %dot_general3A {dimension_numbers = #tpu.dot_dimension_numbers<[1], [0], [0], [1], [0, 0, 1, 1], [], []>, transpose_lhs_hint = false} : vector<1000x128xf32>, vector<128x128xf32>, vector<1000x128xf32> -> vector<1000x128xf32>
    %get3A_17 = arith.constant 0 : index
    %get3A_18 = arith.constant 0 : index
    %get3A_19 = vector.load %arg4[%get3A_17, %get3A_18] : memref<1x128xf32, #tpu.memory_space<vmem>>, vector<1x128xf32>
    %add3A_20 = vector.broadcast %get3A_19 : vector<1x128xf32> to vector<1000x128xf32>
    %add3A_21 = arith.addf %dot_general3A_16, %add3A_20 : vector<1000x128xf32>
    %max3A = arith.constant 0.000000e+00 : f32
    %max3A_22 = vector.broadcast %max3A : f32 to vector<1000x128xf32>
    %max3A_23 = arith.maximumf %add3A_21, %max3A_22 : vector<1000x128xf32>
    %get3A_24 = arith.constant 0 : index
    %get3A_25 = arith.constant 0 : index
    %get3A_26 = vector.load %arg5[%get3A_24, %get3A_25] : memref<128x128xf32, #tpu.memory_space<vmem>>, vector<128x128xf32>
    %dot_general3A_27 = arith.constant dense<0.000000e+00> : vector<1000x128xf32>
    %dot_general3A_28 = tpu.matmul %max3A_23, %get3A_26, %dot_general3A_27 {dimension_numbers = #tpu.dot_dimension_numbers<[1], [0], [0], [1], [0, 0, 1, 1], [], []>, transpose_lhs_hint = false} : vector<1000x128xf32>, vector<128x128xf32>, vector<1000x128xf32> -> vector<1000x128xf32>
    %get3A_29 = arith.constant 0 : index
    %get3A_30 = arith.constant 0 : index
    %get3A_31 = vector.load %arg6[%get3A_29, %get3A_30] : memref<1x128xf32, #tpu.memory_space<vmem>>, vector<1x128xf32>
    %add3A_32 = vector.broadcast %get3A_31 : vector<1x128xf32> to vector<1000x128xf32>
    %add3A_33 = arith.addf %dot_general3A_28, %add3A_32 : vector<1000x128xf32>
    %swap3A = arith.constant 0 : index
    %swap3A_34 = arith.constant 0 : index
    %swap3A_35 = vector.load %arg7[%swap3A, %swap3A_34] : memref<1000x128xf32, #tpu.memory_space<vmem>>, vector<1000x128xf32>
    tpu.vector_store %arg7[%swap3A, %swap3A_34], %add3A_33 {strides = array<i32>} : memref<1000x128xf32, #tpu.memory_space<vmem>>, vector<1000x128xf32>,
    return
  }
  func.func @transform_0(%arg0: i32) -> (i32, i32) {
    %c0_i32 = arith.constant 0 : i32
    %c0_i32_0 = arith.constant 0 : i32
    return %arg0, %c0_i32 : i32, i32
  }
  func.func @transform_1(%arg0: i32) -> (i32, i32, i32) {
    %c0_i32 = arith.constant 0 : i32
    %c0_i32_0 = arith.constant 0 : i32
    %c0_i32_1 = arith.constant 0 : i32
    return %c0_i32, %arg0, %c0_i32_0 : i32, i32, i32
  }
  func.func @transform_2(%arg0: i32) -> (i32, i32) {
    %c0_i32 = arith.constant 0 : i32
    %c0_i32_0 = arith.constant 0 : i32
    %c0_i32_1 = arith.constant 0 : i32
    return %c0_i32, %c0_i32_0 : i32, i32
  }
  func.func @transform_3(%arg0: i32) -> (i32, i32) {
    %c0_i32 = arith.constant 0 : i32
    %c0_i32_0 = arith.constant 0 : i32
    %c0_i32_1 = arith.constant 0 : i32
    return %c0_i32, %c0_i32_0 : i32, i32
  }
  func.func @transform_4(%arg0: i32) -> (i32, i32) {
    %c0_i32 = arith.constant 0 : i32
    %c0_i32_0 = arith.constant 0 : i32
    %c0_i32_1 = arith.constant 0 : i32
    return %c0_i32, %c0_i32_0 : i32, i32
  }
  func.func @transform_5(%arg0: i32) -> (i32, i32) {
    %c0_i32 = arith.constant 0 : i32
    %c0_i32_0 = arith.constant 0 : i32
    %c0_i32_1 = arith.constant 0 : i32
    return %c0_i32, %c0_i32_0 : i32, i32
  }
  func.func @transform_6(%arg0: i32) -> (i32, i32) {
    %c0_i32 = arith.constant 0 : i32
    %c0_i32_0 = arith.constant 0 : i32
    return %arg0, %c0_i32 : i32, i32
  }
}

</mosaic_0001>

<sc_bundles>
// kernel: kernel.5.cloned.1.call-start
scs
__scs_entry_jumppad:
0x0: {  	(pc) =	sbr.rel $0x88, $3  }
0x1: {  	(tag) =	ssettag $0x0;
	lr =	simm.s32 $0x1  }
0x2: {  	[smem:$0x3F99] =	sst lr;
	_ =	strace $0xD0000000  }
0x3: {  	_ = 	snop  }
0x4: {  	_ = 	snop  }
0x5: {  	_ = 	snop  }
0x6: {  	_ = 	snop  }
0x7: {  	_ = 	snop  }
__scs_overlays_trampoline_lowered:
0x8: {  	[smem:$0x3FA8] =	sst s0  }
0x9: {  	[smem:$0x3FA9] =	sst s1  }
0xa: {  	[smem:$0x3FAA] =	sst s2  }
0xb: {  	[smem:$0x3FAB] =	sst s3  }
0xc: {  	[smem:$0x3FAC] =	sst s4  }
0xd: {  	[smem:$0x3FAD] =	sst s5  }
0xe: {  	[smem:$0x3FAE] =	sst s6  }
0xf: {  	[smem:$0x3FAF] =	sst s7  }
0x10: {  	[smem:$0x3FB0] =	sst s8  }
0x11: {  	[smem:$0x3FB1] =	sst s9;
	s0 =	simm.s32 @!p0 $0x0  }
0x12: {  	s1 =	sld [smem:$0x3F97];
	s0 =	simm.s32 @p0 $0x1  }
0x13: {  	[smem:$0x3FB2] =	sst s0;
	s0 =	simm.s32 @!p1 $0x0  }
0x14: {  	s2 =	sld [smem:$0x3F96];
	s0 =	simm.s32 @p1 $0x1  }
0x15: {  	[smem:$0x3FB3] =	sst s0;
	s0 =	simm.s32 @!p2 $0x0  }
0x16: {  	s3 =	sld [smem:$0x3FDB];
	s0 =	simm.s32 @p2 $0x1  }
0x17: {  	s4 =	simm.s32 $0x1BF5;
	[smem:$0x3FB5] =	sst s0  }
0x18: {  	s0 =	sld [smem:$0x3F98];
	_ =	swait.ge [sflag:s4], $0x0  }
0x19: {  	s7 =	sld [smem:$0x3F99]  }
0x1a: {  	s8 =	sadd.s32 $0xFFFFE003, lr  }
0x1b: {  	s9 =	sadd.s32 $0xFFFFFEF7, lr;
	s5 =	simm.s32 $0xFFFFFFFF;
	p2 =	slt.u32 s8, $0xFFFFF086  }
0x1c: {  	p1 =	slt.u32 s9, $0xF7A;
	s5 =	simm.s32 @!p2 $0x0  }
0x1d: {  	s5 =	simm.s32 @p1 $0x1;
	p0 =	seq.s32 s7, s2  }
0x1e: {  	s7 =	smul.u32 @!p0 $0xF7A, s2;
	p2 =	seq.s32 @!p0 s5, $0x0  }
0x1f: {  	s9 =	smul.u32 $0xF7A, s1;
	s8 =	simm.s32 @!p0 $0x1BF5;
	p2 =	por !p2, p0  }
0x20: {  	[sflag:s8] =	ssyncset.s32 @!p0 $0xFFFFF086;
	s6 =	sadd.s32 @!p0 s3, s7;
	s7 =	simm.s32 @!p0 $0x108  }
0x21: {  	s3 =	sadd.s32 s3, s9;
	s6 =	sadd.s32 @!p0 $0x88, s6;
	s7 =	simm.s32 @p2 $0x1082  }
0x22: {  	[simem:s7], [sflag:s8] =	dma.local @!p0 [hbm:s6], $0xF7A  }
0x23: {  	s9 =	sor.u32 $0xD0000000, s2;
	s6 =	simm.s32 $0x108;
	_ =	swait.ge @!p0 [sflag:s8], $0x0  }
0x24: {  	s3 =	sadd.s32 $0x88, s3;
	s6 =	simm.s32 @!p1 $0x1082;
	[sflag:s4] =	ssyncset.s32 $0xFFFFF086  }
0x25: {  	[simem:s6], [sflag:s4] =	dma.local [hbm:s3], $0xF7A  }
0x26: {  	[smem:$0x3F99] =	sst s1;
	(tag) =	ssettag s2;
	_ =	strace s9  }
0x27: {  	s1 =	sld [smem:$0x3FA9]  }
0x28: {  	s2 =	sld [smem:$0x3FAA]  }
0x29: {  	s4 =	sld [smem:$0x3FAC]  }
0x2a: {  	p0 =	seq.s32 s5, $0x0;
	s5 =	sld [smem:$0x3FAD]  }
0x2b: {  	s6 =	sld [smem:$0x3FAE]  }
0x2c: {  	s7 =	sld [smem:$0x3FAF]  }
0x2d: {  	s3 =	simm.s32 $0x108;
	s8 =	sld [smem:$0x3FB0]  }
0x2e: {  	s3 =	simm.s32 @!p0 $0x1082;
	s9 =	sld [smem:$0x3FB1]  }
0x2f: {  	lr =	sadd.s32 s0, s3;
	s0 =	sld [smem:$0x3FA8]  }
0x30: {  	s3 =	sld [smem:$0x3FAB]  }
0x31: {  	[smem:$0x3FB4] =	sst s10  }
0x32: {  	s10 =	sld [smem:$0x3FB2];
	_ =	sdelay $0x3  }
0x33: {  	p0 =	seq.s32 s10, $0x1;
	s10 =	sld [smem:$0x3FB4];
	_ =	sdelay $0x3  }
0x34: {  	[smem:$0x3FB4] =	sst s10  }
0x35: {  	s10 =	sld [smem:$0x3FB3];
	_ =	sdelay $0x3  }
0x36: {  	p1 =	seq.s32 s10, $0x1;
	s10 =	sld [smem:$0x3FB4];
	_ =	sdelay $0x3  }
0x37: {  	[smem:$0x3FB4] =	sst s10  }
0x38: {  	s10 =	sld [smem:$0x3FB5]  }
0x39: {  	_ = 	snop;
	(pc) =	sbr.ind lr, $3  }
0x3a: {  	_ = 	snop  }
0x3b: {  	_ = 	snop  }
0x3c: {  	p2 =	seq.s32 s10, $0x1;
	s10 =	sld [smem:$0x3FB4]  }
0x3d: {  	_ =	shalt  }
0x3e: {  	_ =	shalt  }
0x3f: {  	_ =	shalt  }
0x40: {  	_ =	shalt  }
0x41: {  	_ =	shalt  }
0x42: {  	_ =	shalt  }
0x43: {  	_ =	shalt  }
0x44: {  	_ =	shalt  }
0x45: {  	_ =	shalt  }
0x46: {  	_ =	shalt  }
0x47: {  	_ =	shalt  }
0x48: {  	_ =	shalt  }
0x49: {  	_ =	shalt  }
0x4a: {  	_ =	shalt  }
0x4b: {  	_ =	shalt  }
0x4c: {  	_ =	shalt  }
0x4d: {  	_ =	shalt  }
0x4e: {  	_ =	shalt  }
0x4f: {  	_ =	shalt  }
0x50: {  	_ =	shalt  }
0x51: {  	_ =	shalt  }
0x52: {  	_ =	shalt  }
0x53: {  	_ =	shalt  }
0x54: {  	_ =	shalt  }
0x55: {  	_ =	shalt  }
0x56: {  	_ =	shalt  }
0x57: {  	_ =	shalt  }
0x58: {  	_ =	shalt  }
0x59: {  	_ =	shalt  }
0x5a: {  	_ =	shalt  }
0x5b: {  	_ =	shalt  }
0x5c: {  	_ =	shalt  }
0x5d: {  	_ =	shalt  }
0x5e: {  	_ =	shalt  }
0x5f: {  	_ =	shalt  }
0x60: {  	_ =	shalt  }
0x61: {  	_ =	shalt  }
0x62: {  	_ =	shalt  }
0x63: {  	_ =	shalt  }
0x64: {  	_ =	shalt  }
0x65: {  	_ =	shalt  }
0x66: {  	_ =	shalt  }
0x67: {  	_ =	shalt  }
0x68: {  	_ =	shalt  }
0x69: {  	_ =	shalt  }
0x6a: {  	_ =	shalt  }
0x6b: {  	_ =	shalt  }
0x6c: {  	_ =	shalt  }
0x6d: {  	_ =	shalt  }
0x6e: {  	_ =	shalt  }
0x6f: {  	_ =	shalt  }
0x70: {  	_ =	shalt  }
0x71: {  	_ =	shalt  }
0x72: {  	_ =	shalt  }
0x73: {  	_ =	shalt  }
0x74: {  	_ =	shalt  }
0x75: {  	_ =	shalt  }
0x76: {  	_ =	shalt  }
0x77: {  	_ =	shalt  }
0x78: {  	_ =	shalt  }
0x79: {  	_ =	shalt  }
0x7a: {  	_ =	shalt  }
0x7b: {  	_ =	shalt  }
0x7c: {  	_ =	shalt  }
0x7d: {  	_ =	shalt  }
0x7e: {  	_ =	shalt  }
0x7f: {  	_ =	shalt  }
0x80: {  	_ =	shalt  }
0x81: {  	_ =	shalt  }
0x82: {  	_ =	shalt  }
0x83: {  	_ =	shalt  }
0x84: {  	_ =	shalt  }
0x85: {  	_ =	shalt  }
0x86: {  	_ =	shalt  }
0x87: {  	_ =	shalt  }
.Lfunc_end0:
.L_simem_size_0:
called_computation_lowered:
.L_overlay_start_0:
0x88: {  	s2 =	sld [smem:$0x3FD9]  }
0x89: {  	s3 =	sld [smem:$0x3FFE];
	_ =	sdelay $0x1  }
0x8a: {  	s1 =	srdreg.scid  }
0x8b: {  	s0 =	sand.u32 $0x1, s1  }
0x8c: {  	s14 =	sshll.u32 s0, $0xA;
	s2 =	sadd.s32 s3, s2  }
0x8d: {  	s2 =	sadd.s32 s2, s14  }
0x8e: {  	[smem:$0x3FC0] =	sst s2  }
0x8f: {  	_ = 	snop  }
0x90: {  	s2 =	sld [smem:$0x3FD0];
	_ =	sdelay $0x2  }
0x91: {  	s15 =	simm.s32 $0xA;
	s4 =	simm.s32 $0x10  }
0x92: {  	[smem:s4], [sflag:s15] =	dma.local [hbm:s2], $0x1  }
0x93: {  	_ =	swait.eq [sflag:s15], $0x1  }
0x94: {  	[sflag:s15] =	ssyncset.done $0x0  }
0x95: {  	s16 =	sld [smem:$0x10];
	[sflag:s15] =	ssyncadd.s32 $0xFFFFFFFF  }
0x96: {  	s17 =	sld [smem:$0x11];
	(tm) =	ssettm $0x1  }
0x97: {  	s18 =	sld [smem:$0x3FFB];
	_ =	sdelay $0x3  }
0x98: {  	_ =	strace s18  }
0x99: {  	s4 =	sld [smem:$0x3FFC];
	_ =	sdelay $0x3  }
0x9a: {  	_ =	strace s4  }
0x9b: {  	s4 =	sld [smem:$0x3FFD];
	_ =	sdelay $0x3  }
0x9c: {  	_ =	strace s4  }
0x9d: {  	_ =	strace $0x8FFFFFFF  }
0x9e: {  	s19 =	sld [smem:$0x3FDB];
	_ =	sdelay $0x1  }
0x9f: {  	s5 =	simm.s32 $_scs_section_size  }
0xa0: {  	s6 =	simm.s32 $_size__tile_overlayer_lowered;
	s7 =	simm.s32 $_tile_overlayer_lowered  }
0xa1: {  	s22 =	simm.s32 $0x1BFF;
	s21 =	sshll.u32 s7, $0x1;
	s4 =	sadd.s32 s5, s19  }
0xa2: {  	s8 =	simm.s32 $0x0;
	s20 =	sshll.u32 s6, $0x1;
	s6 =	sadd.s32 s21, s4  }
0xa3: {  	[timem:s8], [sflag:s22] =	dma.local [hbm:s6], s20  }
0xa4: {  	_ =	swait.ge [sflag:s22], s20  }
0xa5: {  	s5 =	ssub.s32 $0x0, s20;
	[sflag:s22] =	ssyncset.done $0x0  }
0xa6: {  	[sflag:s22] =	ssyncadd.s32 s5;
	_ =	sdelay $0x1  }
0xa7: {  	s23 =	simm.s32 $0x1B8B  }
0xa8: {  	_ =	swait.ge [sflag:s23], $0x1  }
0xa9: {  	[sflag:s23] =	ssyncset.done $0x0  }
0xaa: {  	s25 =	simm.s32 $0x1B8E;
	s24 =	sld [smem:$0x3FFE];
	[sflag:s23] =	ssyncadd.s32 $0xFFFFFFFF  }
0xab: {  	s26 =	simm.s32 $execute0_lowered;
	[smem:$0x3FD2] =	sst s25  }
0xac: {  	s6 =	sshll.u32 s26, $0x1;
	_ =	strace $0x80000046;
	[dreg:$0x1] =	wrdreg $0xFFFFFFFF  }
0xad: {  	s28 =	simm.s32 $_size_execute0_lowered;
	s4 =	sadd.s32 s4, s6;
	[dreg:$0x0] =	wrdreg $0x0  }
0xae: {  	s6 =	sshll.u32 s28, $0x1;
	[dreg:$0x2] =	wrdreg s4  }
0xaf: {  	[dreg:$0x3] =	wrdreg s6  }
0xb0: {  	[dreg:$0x4] =	wrdreg $0xC0  }
0xb1: {  	_ =	task [dreg:s8], $0x5FFFF  }
0xb2: {  	[dreg:$0x1] =	wrdreg $0xFFFFFFFF  }
0xb3: {  	[dreg:$0x0] =	wrdreg $0x60  }
0xb4: {  	[dreg:$0x2] =	wrdreg s17  }
0xb5: {  	[dreg:$0x3] =	wrdreg s16  }
0xb6: {  	[dreg:$0x4] =	wrdreg s24  }
0xb7: {  	[dreg:$0x5] =	wrdreg $0x84000  }
0xb8: {  	[dreg:$0x6] =	wrdreg $0x9  }
0xb9: {  	_ =	task.clear_ibuf [dreg:s8], $0x7FFFF;
	_ =	strace $0x90000046  }
0xba: {  	s29 =	simm.s32 $0x9;
	_ =	strace $0x80000048  }
0xbb: {  	_ =	swait.ge [sflag:s29], $0x1  }
0xbc: {  	[sflag:s29] =	ssyncadd.s32 $0xFFFFFFFF  }
0xbd: {  	_ =	strace $0x90000048  }
0xbe: {  	_ =	sfence  }
0xbf: {  	s30 =	sld [smem:$0x0];
	_ =	sdelay $0x2  }
0xc0: {  	s31 =	sshll.u32 s1, $0xD;
	s1 =	sshrl.u32 s1, $0x2  }
0xc1: {  	s3 =	sand.u32 $0x4000, s31;
	s1 =	sadd.s32 s1, s30  }
0xc2: {  	s0 =	sor.u32 s3, s0;
	s1 =	sshll.u32 s1, $0x11  }
0xc3: {  	s0 =	sor.u32 s1, s0  }
0xc4: {  	s0 =	sadd.s32 $0x8F2B, s0  }
0xc5: {  	[sflag:s0] =	ssyncadd.remote.s32 $0x1  }
0xc6: {  	_ =	sfence.sel $0xFFFF  }
0xc7: {  	[dreg:$0x0] =	wrdreg $0xFFFFFFFF;
	(pc) =	sbr.abs _section_cstart, $3  }
0xc8: {  	[dreg:$0x1] =	wrdreg $0xFFFFFFFF  }
0xc9: {  	_ =	task.clear_ibuf [dreg:s8], $0x2FFFF;
	_ =	strace $0x9FFFFFFF  }
0xca: {  	(tm) =	ssettm $0x7FFFFFFF  }
0xcb: {  	_ =	shalt  }
tec
execute0_lowered:
.L_overlay_start_1:
0x0: {  	(tag) =	ssettag $0x1  }
0x1: {  	s0 =	rddreg [dreg:$0x0]  }
0x2: {  	s1 =	rddreg [dreg:$0x1]  }
0x3: {  	s2 =	srdreg.scid;
	s5 =	rddreg [dreg:$0x2]  }
0x4: {  	s11 =	stileid.u32;
	s3 =	rddreg [dreg:$0x3]  }
0x5: {  	s4 =	simm.s32 $0x0;
	s28 =	simm.s32 $0x200;
	s7 =	smul.u32 $0x14000, s11  }
0x6: {  	s29 =	simm.s32 $0x2;
	s30 =	simm.s32 $0x180;
	s8 =	smul.u32 $0x50000, s11  }
0x7: {  	s31 =	simm.s32 $0x7;
	s2 =	sand.u32 $0x1, s2;
	s16 =	smul.u32 $0x5000, s11  }
0x8: {  	s12 =	simm.s32 $0x0;
	[smem:$0x7FF] =	sst s4;
	s6 =	smul.u32 $0x140000, s2  }
0x9: {  	s13 =	sshll.u32 s2, $0x4;
	_ =	strace $0x80000047;
	s15 =	ssub.s32 $0x2, s2  }
0xa: {  	s2 =	smul.u32 $0x50000, s2;
	s14 =	sor.u32 s11, s13;
	s8 =	sshrl.u32 s8, $0x2  }
0xb: {  	s10 =	sshrl.u32 s15, $0x1;
	s11 =	simm.s32 $0x5;
	s6 =	sadd.s32 s7, s6  }
0xc: {  	s9 =	smul.u32 $0x5000, s14;
	s7 =	ssub.s32 s15, s10;
	s2 =	sadd.s32 s16, s2  }
0xd: {  	s6 =	sshrl.u32 s6, $0x3;
	s22 =	sor.u32 $0x700, s2;
	s7 =	smax.u32 s7, $0x1  }
0xe: {  	s24 =	sor.u32 $0x600, s2;
	s25 =	sor.u32 $0x500, s2;
	s2 =	sor.u32 $0x400, s2  }
0xf: {  	s6 =	sadd.s32 s6, s5;
	s5 =	sadd.s32 s8, s3;
	s9 =	sshrl.u32 s9, $0x3  }
0x10: {  	s23 =	sshrl.u32 s22, $0x3;
	[dreg:$0xd] =	wrdreg s7;
	s26 =	sshrl.u32 s25, $0x3  }
0x11: {  	s2 =	sshrl.u32 s2, $0x3;
	s22 =	simm.s32 $0x100;
	s25 =	simm.s32 $0x6  }
0x12: {  	s7 =	simm.s32 $0x8;
	s8 =	sadd.s32 $0x4000, s5;
	s17 =	sadd.s32 $0x8000, s5  }
0x13: {  	s18 =	sadd.s32 $0xC000, s5;
	s19 =	sadd.s32 $0x10000, s5;
	[dreg:$0x5] =	wrdreg s8  }
0x14: {  	s10 =	sadd.s32 s1, s9;
	s6 =	sadd.s32 $0x1A00, s6;
	[dreg:$0x6] =	wrdreg s17  }
0x15: {  	s16 =	sadd.s32 s23, s1;
	s23 =	simm.s32 $0x80;
	[dreg:$0x7] =	wrdreg s18  }
0x16: {  	[dreg:$0x8] =	wrdreg s19;
	s20 =	sadd.s32 $0x20, s10;
	s21 =	sadd.s32 $0x40, s10  }
0x17: {  	s9 =	sadd.s32 $0x60, s10;
	[dreg:$0xc] =	wrdreg s6;
	s6 =	sshrl.u32 s24, $0x3  }
0x18: {  	s18 =	sadd.s32 s26, s1;
	s19 =	sadd.s32 s2, s1;
	[dreg:$0x9] =	wrdreg s20  }
0x19: {  	s24 =	simm.s32 $0x1;
	s26 =	simm.s32 $0x4400;
	[dreg:$0xa] =	wrdreg s21  }
0x1a: {  	s2 =	simm.s32 $0x3;
	s8 =	simm.s32 $0x4;
	[dreg:$0xb] =	wrdreg s9  }
0x1b: {  	s17 =	sadd.s32 s6, s1;
	s20 =	simm.s32 $0x400;
	s21 =	simm.s32 $0x9  }
0x1c: {  	v0 =	vimm.f32 $0.0e+00;
	s1 =	simm.s32 $0x300;
	s6 =	simm.s32 $0x280;
	s9 =	simm.s32 $0x380  }
.LBB2_1:
0x1d: {  	s13 =	simm.s32 $0x0;
	s14 =	simm.s32 $0x200  }
.LBB2_2:
0x1e: {  	p0 =	sne.s32 s14, $0xFE00;
	[tilespmem:s13+$0x470] =	vst v0  }
0x1f: {  	[tilespmem:s13+$0x400] =	vst v0  }
0x20: {  	[tilespmem:s13+$0x410] =	vst v0  }
.Ltmp0:
0x21: {  	[tilespmem:s13+$0x420] =	vst v0;
	(pc) =	sbr.rel @p0 .LBB2_2-.Ltmp0, $4  }
0x22: {  	[tilespmem:s13+$0x430] =	vst v0  }
0x23: {  	[tilespmem:s13+$0x440] =	vst v0  }
0x24: {  	[tilespmem:s13+$0x450] =	vst v0  }
0x25: {  	[tilespmem:s13+$0x460] =	vst v0;
	s13 =	sshra.s32 s14, $0x2;
	s14 =	sadd.s32 $0x200, s14  }
0x26: {  	[tilespmem:s13+$0x470] =	vst v0  }
0x27: {  	[tilespmem:s13+$0x400] =	vst v0  }
0x28: {  	[tilespmem:s13+$0x410] =	vst v0  }
0x29: {  	[tilespmem:s13+$0x420] =	vst v0  }
0x2a: {  	[tilespmem:s13+$0x430] =	vst v0  }
0x2b: {  	[tilespmem:s13+$0x440] =	vst v0  }
0x2c: {  	[tilespmem:s13+$0x450] =	vst v0  }
0x2d: {  	[tilespmem:s13+$0x460] =	vst v0  }
0x2e: {  	[spmem:s5] =	stream.linear.scatter [tilespmem:s20], [sflag:$0x9], $0x4000, $0x38;
	[tilespmem:$0x1C400] =	vst v63  }
0x2f: {  	_ =	swait.ge [sflag:s21], $0x4000  }
0x30: {  	[sflag:s21] =	ssyncset.done $0x0  }
0x31: {  	s15 =	rddreg [dreg:$0x5];
	[sflag:s21] =	ssyncadd.s32 $0xFFFFC000  }
0x32: {  	[spmem:s15] =	stream.linear.scatter [tilespmem:s20], [sflag:$0x9], $0x4000, $0x38;
	[tilespmem:$0x1C400] =	vst v63  }
0x33: {  	_ =	swait.ge [sflag:s21], $0x4000  }
0x34: {  	[sflag:s21] =	ssyncset.done $0x0  }
0x35: {  	s14 =	rddreg [dreg:$0x6];
	[sflag:s21] =	ssyncadd.s32 $0xFFFFC000  }
0x36: {  	[spmem:s14] =	stream.linear.scatter [tilespmem:s20], [sflag:$0x9], $0x4000, $0x38;
	[tilespmem:$0x1C400] =	vst v63  }
0x37: {  	_ =	swait.ge [sflag:s21], $0x4000  }
0x38: {  	[sflag:s21] =	ssyncset.done $0x0  }
0x39: {  	s15 =	rddreg [dreg:$0x7];
	[sflag:s21] =	ssyncadd.s32 $0xFFFFC000  }
0x3a: {  	[spmem:s15] =	stream.linear.scatter [tilespmem:s20], [sflag:$0x9], $0x4000, $0x38;
	[tilespmem:$0x1C400] =	vst v63  }
0x3b: {  	_ =	swait.ge [sflag:s21], $0x4000  }
0x3c: {  	[sflag:s21] =	ssyncset.done $0x0  }
0x3d: {  	s14 =	rddreg [dreg:$0x8];
	[sflag:s21] =	ssyncadd.s32 $0xFFFFC000  }
0x3e: {  	[spmem:s14] =	stream.linear.scatter [tilespmem:s20], [sflag:$0x9], $0x4000, $0x38;
	[tilespmem:$0x1C400] =	vst v63  }
0x3f: {  	_ =	swait.ge [sflag:s21], $0x4000  }
0x40: {  	[sflag:s21] =	ssyncset.done $0x0  }
0x41: {  	s13 =	simm.s32 $0x0;
	[sflag:s21] =	ssyncadd.s32 $0xFFFFC000  }
0x42: {  	[tilespmem:s13], [sflag:$0x9] =	stream.linear.gather [hbm4b:s10+s13], $0x100, $0x38;
	[tilespmem:$0x1C400] =	vst v63  }
0x43: {  	_ =	swait.ge [sflag:s21], $0x100  }
0x44: {  	[sflag:s21] =	ssyncset.done $0x0  }
0x45: {  	s14 =	rddreg [dreg:$0x9];
	[sflag:s21] =	ssyncadd.s32 $0xFFFFFF00  }
0x46: {  	[tilespmem:s22], [sflag:$0x6] =	stream.linear.gather [hbm4b:s14+s13], $0x100, $0x38;
	[tilespmem:$0x1C400] =	vst v63  }
0x47: {  	_ = 	snop  }
0x48: {  	[tilespmem:s20], [sflag:$0x1] =	stream.indirect.gather [hbm4b:s0+s23], $0x80, s13, s23, $0xb8;
	[tilespmem:$0x1C400] =	vst v63  }
0x49: {  	[bflag:$0x0] =	sbarrier.arrive $0xFFFF  }
0x4a: {  	_ =	swait.ge [sflag:s24], $0x4000  }
0x4b: {  	[sflag:s24] =	ssyncset.done $0x0  }
0x4c: {  	[sflag:s24] =	ssyncadd.s32 $0xFFFFC000  }
0x4d: {  	[spmem:s3] =	stream.indirect.scatter.add.f32 [tilespmem:s20], [sflag:$0x3], $0x80, s23, s23, $0xb8;
	[tilespmem:$0x1C400] =	vst v63  }
0x4e: {  	_ =	swait.ge [sflag:s25], $0x100  }
0x4f: {  	[sflag:s25] =	ssyncset.done $0x0  }
0x50: {  	[sflag:s25] =	ssyncadd.s32 $0xFFFFFF00  }
0x51: {  	[tilespmem:s26], [sflag:$0x2] =	stream.indirect.gather [hbm4b:s0+s23], $0x80, s22, s23, $0xb8;
	[tilespmem:$0x1C400] =	vst v63  }
0x52: {  	s15 =	rddreg [dreg:$0xa]  }
0x53: {  	[tilespmem:s28], [sflag:$0x7] =	stream.linear.gather [hbm4b:s15+s13], $0x100, $0x38;
	[tilespmem:$0x1C400] =	vst v63  }
0x54: {  	_ =	swait.ge [sflag:s29], $0x4000  }
0x55: {  	[sflag:s29] =	ssyncset.done $0x0  }
0x56: {  	[sflag:s29] =	ssyncadd.s32 $0xFFFFC000  }
0x57: {  	[spmem:s3] =	stream.indirect.scatter.add.f32 [tilespmem:s26], [sflag:$0x4], $0x80, s30, s23, $0xb8;
	[tilespmem:$0x1C400] =	vst v63  }
0x58: {  	_ =	swait.ge [sflag:s31], $0x100  }
0x59: {  	[sflag:s31] =	ssyncset.done $0x0  }
0x5a: {  	[sflag:s31] =	ssyncadd.s32 $0xFFFFFF00  }
0x5b: {  	_ =	swait.ge [sflag:s2], $0x4000  }
0x5c: {  	[sflag:s2] =	ssyncset.done $0x0  }
0x5d: {  	[sflag:s2] =	ssyncadd.s32 $0xFFFFC000  }
0x5e: {  	[tilespmem:s20], [sflag:$0x1] =	stream.indirect.gather [hbm4b:s0+s23], $0x80, s28, s23, $0xb8;
	[tilespmem:$0x1C400] =	vst v63  }
0x5f: {  	s15 =	rddreg [dreg:$0xb]  }
0x60: {  	[tilespmem:s1], [sflag:$0x8] =	stream.linear.gather [hbm4b:s15+s13], $0x100, $0x38;
	[tilespmem:$0x1C400] =	vst v63  }
0x61: {  	_ =	swait.ge [sflag:s24], $0x4000  }
0x62: {  	[sflag:s24] =	ssyncset.done $0x0  }
0x63: {  	[sflag:s24] =	ssyncadd.s32 $0xFFFFC000  }
0x64: {  	[spmem:s3] =	stream.indirect.scatter.add.f32 [tilespmem:s20], [sflag:$0x3], $0x80, s6, s23, $0xb8;
	[tilespmem:$0x1C400] =	vst v63  }
0x65: {  	_ =	swait.ge [sflag:s7], $0x100  }
0x66: {  	[sflag:s7] =	ssyncset.done $0x0  }
0x67: {  	[sflag:s7] =	ssyncadd.s32 $0xFFFFFF00  }
0x68: {  	_ =	swait.ge [sflag:s8], $0x4000  }
0x69: {  	[sflag:s8] =	ssyncset.done $0x0  }
0x6a: {  	[sflag:s8] =	ssyncadd.s32 $0xFFFFC000  }
0x6b: {  	[tilespmem:s26], [sflag:$0x2] =	stream.indirect.gather [hbm4b:s0+s23], $0x80, s1, s23, $0xb8;
	[tilespmem:$0x1C400] =	vst v63  }
0x6c: {  	s15 =	sadd.s32 $0x0, s19  }
0x6d: {  	[tilespmem:s4], [sflag:$0x5] =	stream.linear.gather [hbm4b:s15+s4], $0x100, $0x38;
	[tilespmem:$0x1C400] =	vst v63  }
0x6e: {  	_ =	swait.ge [sflag:s29], $0x4000  }
0x6f: {  	[sflag:s29] =	ssyncset.done $0x0  }
0x70: {  	[sflag:s29] =	ssyncadd.s32 $0xFFFFC000  }
0x71: {  	[spmem:s3] =	stream.indirect.scatter.add.f32 [tilespmem:s26], [sflag:$0x4], $0x80, s9, s23, $0xb8;
	[tilespmem:$0x1C400] =	vst v63  }
0x72: {  	_ =	swait.ge [sflag:s11], $0x100  }
0x73: {  	[sflag:s11] =	ssyncset.done $0x0  }
0x74: {  	[sflag:s11] =	ssyncadd.s32 $0xFFFFFF00  }
0x75: {  	_ =	swait.ge [sflag:s2], $0x4000  }
0x76: {  	[sflag:s2] =	ssyncset.done $0x0  }
0x77: {  	[sflag:s2] =	ssyncadd.s32 $0xFFFFC000  }
0x78: {  	[tilespmem:s20], [sflag:$0x1] =	stream.indirect.gather [hbm4b:s0+s23], $0x80, s4, s23, $0xb8;
	[tilespmem:$0x1C400] =	vst v63  }
0x79: {  	s14 =	sadd.s32 $0x0, s18  }
0x7a: {  	[tilespmem:s22], [sflag:$0x6] =	stream.linear.gather [hbm4b:s14+s4], $0x100, $0x38;
	[tilespmem:$0x1C400] =	vst v63  }
0x7b: {  	_ =	swait.ge [sflag:s24], $0x4000  }
0x7c: {  	[sflag:s24] =	ssyncset.done $0x0  }
0x7d: {  	[sflag:s24] =	ssyncadd.s32 $0xFFFFC000  }
0x7e: {  	[spmem:s3] =	stream.indirect.scatter.add.f32 [tilespmem:s20], [sflag:$0x3], $0x80, s23, s23, $0xb8;
	[tilespmem:$0x1C400] =	vst v63  }
0x7f: {  	_ =	swait.ge [sflag:s25], $0x100  }
0x80: {  	[sflag:s25] =	ssyncset.done $0x0  }
0x81: {  	[sflag:s25] =	ssyncadd.s32 $0xFFFFFF00  }
0x82: {  	_ =	swait.ge [sflag:s8], $0x4000  }
0x83: {  	[sflag:s8] =	ssyncset.done $0x0  }
0x84: {  	[sflag:s8] =	ssyncadd.s32 $0xFFFFC000  }
0x85: {  	[tilespmem:s26], [sflag:$0x2] =	stream.indirect.gather [hbm4b:s0+s23], $0x80, s22, s23, $0xb8;
	[tilespmem:$0x1C400] =	vst v63  }
0x86: {  	s15 =	sadd.s32 $0x0, s17  }
0x87: {  	[tilespmem:s28], [sflag:$0x7] =	stream.linear.gather [hbm4b:s15+s4], $0x100, $0x38;
	[tilespmem:$0x1C400] =	vst v63  }
0x88: {  	_ =	swait.ge [sflag:s29], $0x4000  }
0x89: {  	[sflag:s29] =	ssyncset.done $0x0  }
0x8a: {  	[sflag:s29] =	ssyncadd.s32 $0xFFFFC000  }
0x8b: {  	[spmem:s3] =	stream.indirect.scatter.add.f32 [tilespmem:s26], [sflag:$0x4], $0x80, s30, s23, $0xb8;
	[tilespmem:$0x1C400] =	vst v63  }
0x8c: {  	_ =	swait.ge [sflag:s31], $0x100  }
0x8d: {  	[sflag:s31] =	ssyncset.done $0x0  }
0x8e: {  	[sflag:s31] =	ssyncadd.s32 $0xFFFFFF00  }
0x8f: {  	_ =	swait.ge [sflag:s2], $0x4000  }
0x90: {  	[sflag:s2] =	ssyncset.done $0x0  }
0x91: {  	s13 =	simm.s32 $0x80;
	s14 =	sadd.s32 $0x0, s16;
	[sflag:s2] =	ssyncadd.s32 $0xFFFFC000  }
0x92: {  	[tilespmem:s20], [sflag:$0x1] =	stream.indirect.gather [hbm4b:s0+s23], $0x80, s28, s23, $0xb8;
	[tilespmem:$0x1C400] =	vst v63  }
.LBB2_4:
0x93: {  	[tilespmem:s1], [sflag:$0x8] =	stream.linear.gather [hbm4b:s14+s4], $0x100, $0x38;
	[tilespmem:$0x1C400] =	vst v63  }
0x94: {  	s14 =	smov.u32 s13  }
0x95: {  	p0 =	sne.s32 s13, $0x900;
	s13 =	sadd.s32 $0x80, s13;
	_ =	swait.ge [sflag:s24], $0x4000  }
0x96: {  	[sflag:s24] =	ssyncset.done $0x0  }
0x97: {  	[sflag:s24] =	ssyncadd.s32 $0xFFFFC000  }
0x98: {  	[spmem:s3] =	stream.indirect.scatter.add.f32 [tilespmem:s20], [sflag:$0x3], $0x80, s6, s23, $0xb8;
	[tilespmem:$0x1C400] =	vst v63  }
0x99: {  	_ =	swait.ge [sflag:s7], $0x100  }
0x9a: {  	[sflag:s7] =	ssyncset.done $0x0  }
0x9b: {  	[sflag:s7] =	ssyncadd.s32 $0xFFFFFF00  }
0x9c: {  	_ =	swait.ge [sflag:s8], $0x4000  }
0x9d: {  	[sflag:s8] =	ssyncset.done $0x0  }
0x9e: {  	[sflag:s8] =	ssyncadd.s32 $0xFFFFC000  }
0x9f: {  	[tilespmem:s26], [sflag:$0x2] =	stream.indirect.gather [hbm4b:s0+s23], $0x80, s1, s23, $0xb8;
	[tilespmem:$0x1C400] =	vst v63  }
0xa0: {  	s15 =	sadd.s32 s14, s19  }
0xa1: {  	[tilespmem:s4], [sflag:$0x5] =	stream.linear.gather [hbm4b:s15+s4], $0x100, $0x38;
	[tilespmem:$0x1C400] =	vst v63  }
0xa2: {  	_ =	swait.ge [sflag:s29], $0x4000  }
0xa3: {  	[sflag:s29] =	ssyncset.done $0x0  }
0xa4: {  	[sflag:s29] =	ssyncadd.s32 $0xFFFFC000  }
0xa5: {  	[spmem:s3] =	stream.indirect.scatter.add.f32 [tilespmem:s26], [sflag:$0x4], $0x80, s9, s23, $0xb8;
	[tilespmem:$0x1C400] =	vst v63  }
0xa6: {  	_ =	swait.ge [sflag:s11], $0x100  }
0xa7: {  	[sflag:s11] =	ssyncset.done $0x0  }
0xa8: {  	[sflag:s11] =	ssyncadd.s32 $0xFFFFFF00  }
0xa9: {  	_ =	swait.ge [sflag:s2], $0x4000  }
0xaa: {  	[sflag:s2] =	ssyncset.done $0x0  }
0xab: {  	[sflag:s2] =	ssyncadd.s32 $0xFFFFC000  }
0xac: {  	[tilespmem:s20], [sflag:$0x1] =	stream.indirect.gather [hbm4b:s0+s23], $0x80, s4, s23, $0xb8;
	[tilespmem:$0x1C400] =	vst v63  }
0xad: {  	s15 =	sadd.s32 s14, s18  }
0xae: {  	[tilespmem:s22], [sflag:$0x6] =	stream.linear.gather [hbm4b:s15+s4], $0x100, $0x38;
	[tilespmem:$0x1C400] =	vst v63  }
0xaf: {  	_ =	swait.ge [sflag:s24], $0x4000  }
0xb0: {  	[sflag:s24] =	ssyncset.done $0x0  }
0xb1: {  	[sflag:s24] =	ssyncadd.s32 $0xFFFFC000  }
0xb2: {  	[spmem:s3] =	stream.indirect.scatter.add.f32 [tilespmem:s20], [sflag:$0x3], $0x80, s23, s23, $0xb8;
	[tilespmem:$0x1C400] =	vst v63  }
0xb3: {  	_ =	swait.ge [sflag:s25], $0x100  }
0xb4: {  	[sflag:s25] =	ssyncset.done $0x0  }
0xb5: {  	[sflag:s25] =	ssyncadd.s32 $0xFFFFFF00  }
0xb6: {  	_ =	swait.ge [sflag:s8], $0x4000  }
0xb7: {  	[sflag:s8] =	ssyncset.done $0x0  }
0xb8: {  	[sflag:s8] =	ssyncadd.s32 $0xFFFFC000  }
0xb9: {  	[tilespmem:s26], [sflag:$0x2] =	stream.indirect.gather [hbm4b:s0+s23], $0x80, s22, s23, $0xb8;
	[tilespmem:$0x1C400] =	vst v63  }
0xba: {  	s15 =	sadd.s32 s14, s17  }
0xbb: {  	[tilespmem:s28], [sflag:$0x7] =	stream.linear.gather [hbm4b:s15+s4], $0x100, $0x38;
	[tilespmem:$0x1C400] =	vst v63  }
0xbc: {  	_ =	swait.ge [sflag:s29], $0x4000  }
0xbd: {  	[sflag:s29] =	ssyncset.done $0x0  }
0xbe: {  	[sflag:s29] =	ssyncadd.s32 $0xFFFFC000  }
0xbf: {  	[spmem:s3] =	stream.indirect.scatter.add.f32 [tilespmem:s26], [sflag:$0x4], $0x80, s30, s23, $0xb8;
	[tilespmem:$0x1C400] =	vst v63  }
0xc0: {  	_ =	swait.ge [sflag:s31], $0x100  }
0xc1: {  	[sflag:s31] =	ssyncset.done $0x0  }
0xc2: {  	[sflag:s31] =	ssyncadd.s32 $0xFFFFFF00  }
.Ltmp1:
0xc3: {  	_ =	swait.ge [sflag:s2], $0x4000;
	(pc) =	sbr.rel @p0 .LBB2_4-.Ltmp1, $4  }
0xc4: {  	[sflag:s2] =	ssyncset.done $0x0  }
0xc5: {  	[sflag:s2] =	ssyncadd.s32 $0xFFFFC000  }
0xc6: {  	[tilespmem:s20], [sflag:$0x1] =	stream.indirect.gather [hbm4b:s0+s23], $0x80, s28, s23, $0xb8;
	[tilespmem:$0x1C400] =	vst v63  }
0xc7: {  	s14 =	sadd.s32 s14, s16  }
0xc8: {  	[tilespmem:s1], [sflag:$0x8] =	stream.linear.gather [hbm4b:s14+s4], $0x100, $0x38;
	[tilespmem:$0x1C400] =	vst v63  }
0xc9: {  	_ =	swait.ge [sflag:s24], $0x4000  }
0xca: {  	[sflag:s24] =	ssyncset.done $0x0  }
0xcb: {  	[sflag:s24] =	ssyncadd.s32 $0xFFFFC000  }
0xcc: {  	[spmem:s3] =	stream.indirect.scatter.add.f32 [tilespmem:s20], [sflag:$0x3], $0x80, s6, s23, $0xb8;
	[tilespmem:$0x1C400] =	vst v63  }
0xcd: {  	_ =	swait.ge [sflag:s7], $0x100  }
0xce: {  	[sflag:s7] =	ssyncset.done $0x0  }
0xcf: {  	[sflag:s7] =	ssyncadd.s32 $0xFFFFFF00  }
0xd0: {  	_ =	swait.ge [sflag:s8], $0x4000  }
0xd1: {  	[sflag:s8] =	ssyncset.done $0x0  }
0xd2: {  	[sflag:s8] =	ssyncadd.s32 $0xFFFFC000  }
0xd3: {  	[tilespmem:s26], [sflag:$0x2] =	stream.indirect.gather [hbm4b:s0+s23], $0x80, s1, s23, $0xb8;
	[tilespmem:$0x1C400] =	vst v63  }
0xd4: {  	_ =	swait.ge [sflag:s29], $0x4000  }
0xd5: {  	[sflag:s29] =	ssyncset.done $0x0  }
0xd6: {  	[sflag:s29] =	ssyncadd.s32 $0xFFFFC000  }
0xd7: {  	[spmem:s3] =	stream.indirect.scatter.add.f32 [tilespmem:s26], [sflag:$0x4], $0x80, s9, s23, $0xb8;
	[tilespmem:$0x1C400] =	vst v63  }
0xd8: {  	_ =	swait.ge [sflag:s2], $0x4000  }
0xd9: {  	[sflag:s2] =	ssyncset.done $0x0  }
0xda: {  	[sflag:s2] =	ssyncadd.s32 $0xFFFFC000  }
0xdb: {  	_ =	swait.ge [sflag:s8], $0x4000  }
0xdc: {  	[sflag:s8] =	ssyncset.done $0x0  }
0xdd: {  	s13 =	stileid.u32;
	[sflag:s8] =	ssyncadd.s32 $0xFFFFC000  }
0xde: {  	s13 =	sshll.u32 s13, $0x6;
	[bflag:$0x0] =	sbarrier.arrive $0xFFFF  }
0xdf: {  	s14 =	sshrl.u32 s5, $0x3;
	s13 =	sor.u32 $0x1C09, s13;
	s15 =	rddreg [dreg:$0xc]  }
0xe0: {  	[hbm:s15], [sflag:s13] =	dma.local [spmem:s14], $0x2800  }
0xe1: {  	_ =	swait.ge [sflag:s21], $0x2800  }
0xe2: {  	s12 =	sadd.s32 $0x1, s12;
	s15 =	rddreg [dreg:$0xd]  }
0xe3: {  	p0 =	sne.s32 s12, s15  }
.Ltmp2:
0xe4: {  	_ = 	snop;
	(pc) =	sbr.rel @p0 .LBB2_1-.Ltmp2, $3  }
0xe5: {  	_ =	sdelay $0x1  }
0xe6: {  	[sflag:s21] =	ssyncset.done $0x0  }
0xe7: {  	[sflag:s21] =	ssyncadd.s32 $0xFFFFD800  }
0xe8: {  	_ =	sfence.sel $0x180000  }
0xe9: {  	[bflag:$0x0] =	sbarrier.arrive $0xFFFF  }
0xea: {  	_ =	strace $0x90000047  }
0xeb: {  	s0 =	stileid.u32;
	[bflag:$0x2] =	sbarrier.arrive $0xFFFF  }
0xec: {  	p0 =	sne.s32 s0, $0x0;
	s0 =	rddreg [dreg:$0x4]  }
0xed: {  	s0 =	sadd.s32 @!p0 $0x100000, s0  }
0xee: {  	[sflag:s0] =	ssyncadd.tile.s32 @!p0 $0x1;
	_ =	shalt  }
.Lfunc_end2:
_tile_overlayer_lowered:
.L_overlay_start_2:
0xef: {  	(tag) =	ssettag $0x2  }
0xf0: {  	s0 =	rddreg [dreg:$0x0];
	s2 =	stileid.u32  }
0xf1: {  	s1 =	rddreg [dreg:$0x1];
	p0 =	sne.s32 s2, $0x0  }
0xf2: {  	s3 =	rddreg [dreg:$0x2];
	[bflag:$0x3] =	sbarrier.arrive $0xFFFF;
	s2 =	simm.s32 @!p0 $0x1C09  }
0xf3: {  	[timem:s3], [sflag:s2] =	dma.local @!p0 [hbm:s0], s1  }
0xf4: {  	s0 =	simm.s32 @!p0 $0x9  }
0xf5: {  	_ =	swait.ge @!p0 [sflag:s0], s1  }
0xf6: {  	s1 =	ssub.s32 @!p0 $0x0, s1;
	[sflag:s0] =	ssyncset.done @!p0 $0x0  }
0xf7: {  	[sflag:s0] =	ssyncadd.s32 @!p0 s1  }
0xf8: {  	[bflag:$0x3] =	sbarrier.arrive $0xFFFF  }
0xf9: {  	_ =	shalt  }

</sc_bundles>
